<compile_context>
chip_gen: v7x
topology: tpu7x:2x2x1
jax: 0.10.2.dev20260603
libtpu: 0.0.44.dev20260713+nightly
codegen_flags: <defaults>
</compile_context>

<pallas_src>
import functools

import jax
import jax.numpy as jnp
from jax import lax
from jax.experimental import pallas as pl
from jax.experimental.pallas import tpu as pltpu
from jax.experimental.pallas import tpu_sc as plsc

_NC = 2
_NS = 16
_NW = _NC * _NS
_K = 128
_NBUF = 8
_W = 32


def _sc_segment_sum(y, src2d, dst2d, zeros):
  n = y.shape[0]
  blocks = src2d.shape[0]
  nb = blocks // _NW
  assert nb * _NW == blocks and nb % _NBUF == 0 and n % (_NS * 8) == 0
  rpt = n // _NS
  outer = nb // _NBUF

  mesh = plsc.VectorSubcoreMesh(
      core_axis_name="c", subcore_axis_name="s",
      num_cores=_NC, num_subcores=_NS)

  @functools.partial(
      pl.kernel,
      out_type=jax.ShapeDtypeStruct((_NC, n, _W), jnp.float32),
      mesh=mesh,
      scratch_types=[
          pltpu.VMEM((nb, _K), jnp.int32),
          pltpu.VMEM((nb, _K), jnp.int32),
          [pltpu.VMEM((_K, _W), jnp.float32)] * _NBUF,
          [pltpu.SemaphoreType.DMA] * _NBUF,
          [pltpu.SemaphoreType.DMA] * _NBUF,
          pltpu.VMEM_SHARED((n, _W), jnp.float32),
          pltpu.VMEM_SHARED((n, _W), jnp.float32),
      ],
      compiler_params=pltpu.CompilerParams(use_tc_tiling_on_sc=False),
  )
  def body(y_hbm, src_hbm, dst_hbm, z_hbm, out_hbm, src_v, dst_v, bufs,
           gsems, ssems, acc, y_sh):
    c = lax.axis_index("c")
    s = lax.axis_index("s")
    w = c * _NS + s
    pltpu.sync_copy(src_hbm.at[pl.ds(w * nb, nb)], src_v)
    pltpu.sync_copy(dst_hbm.at[pl.ds(w * nb, nb)], dst_v)
    pltpu.sync_copy(y_hbm.at[pl.ds(s * rpt, rpt)],
                    y_sh.at[pl.ds(s * rpt, rpt)])
    pltpu.sync_copy(z_hbm.at[pl.ds(s * rpt, rpt)],
                    acc.at[pl.ds(s * rpt, rpt)])
    plsc.subcore_barrier()

    def gather(blk, b):
      return pltpu.async_copy(y_sh.at[src_v.at[blk]], bufs[b], gsems[b])

    def gather_wait(b):
      pltpu.make_async_copy(y_hbm.at[pl.ds(0, _K)], bufs[b], gsems[b]).wait()

    for b in range(_NBUF):
      gather(b, b)

    def step(j, carry):
      base = j * _NBUF
      scatters = []
      for b in range(_NBUF):
        gather_wait(b)
        scatters.append(pltpu.async_copy(
            bufs[b], acc.at[dst_v.at[base + b]], ssems[b], add=True))
      for b in range(_NBUF):
        scatters[b].wait()
        @pl.when(j < outer - 1)
        def _():
          gather(base + _NBUF + b, b)
      return carry

    lax.fori_loop(0, outer, step, 0)
    plsc.subcore_barrier()
    pltpu.sync_copy(acc.at[pl.ds(s * rpt, rpt)],
                    out_hbm.at[c, pl.ds(s * rpt, rpt)])

  return body(y, src2d, dst2d, zeros)


def _dot(a, b):
  return lax.dot_general(a, b, (((1,), (0,)), ((), ())),
                         preferred_element_type=jnp.float32)


def _dot_t(a, b):
  return lax.dot_general(a, b, (((0,), (0,)), ((), ())),
                         preferred_element_type=jnp.float32)


def _bn_relu(agg0, agg1, root, b, g, bb, n_real):
  rows = lax.broadcasted_iota(jnp.int32, (agg0.shape[0], 1), 0)
  m = (rows < n_real).astype(jnp.float32)
  u = jnp.maximum(agg0 + agg1 + root + b, 0.0) * m
  mu = jnp.sum(u, axis=0, keepdims=True) * (1.0 / n_real)
  d = (u - mu) * m
  var = jnp.sum(d * d, axis=0, keepdims=True) * (1.0 / n_real)
  return d * lax.rsqrt(var + 1e-5) * g + bb


def _head(h, batch_col, batch_row, lw1, lb1, lw2, lb2, n_groups, width):
  w_pad = h.shape[1]
  onehot = (batch_col == lax.broadcasted_iota(
      jnp.int32, (1, n_groups), 1)).astype(jnp.float32)
  seg_sum = _dot_t(onehot, h)
  big_t = jnp.where(
      batch_row == lax.broadcasted_iota(jnp.int32, (n_groups, 1), 0),
      0.0, -1e30)
  counts = jnp.sum(jnp.where(big_t == 0.0, 1.0, 0.0),
                   axis=1, keepdims=True)
  h_t = lax.transpose(h, (1, 0))
  feat = lax.broadcasted_iota(jnp.int32, (w_pad, 1), 0)
  lane = lax.broadcasted_iota(jnp.int32, (1, w_pad), 1)

  def max_row(f, carry):
    row = jnp.sum(jnp.where(feat == f, h_t, 0.0), axis=0, keepdims=True)
    m = jnp.max(big_t + row, axis=1, keepdims=True)
    return jnp.where(lane == f, m, carry)

  seg_max = lax.fori_loop(0, width, max_row,
                          jnp.zeros((n_groups, w_pad), jnp.float32))
  seg_max = jnp.where(counts > 0, seg_max, 0.0)
  seg_mean = seg_sum / jnp.maximum(counts, 1.0)
  z = jnp.concatenate([seg_max[:, :width], seg_mean[:, :width]], axis=1)
  z1 = jnp.maximum(_dot(z, lw1) + lb1, 0.0)
  out = _dot(z1, lw2) + lb2
  return 1.0 / (1.0 + jnp.exp(-out))


def _tc_project(x, w_rel, w_root):
  def body(x_ref, wrel_ref, wroot_ref, y_ref, root_ref):
    xv = x_ref[...]
    y_ref[...] = _dot(xv, wrel_ref[...])
    root_ref[...] = _dot(xv, wroot_ref[...])

  n = x.shape[0]
  return pl.pallas_call(
      body,
      out_shape=[jax.ShapeDtypeStruct((n, _W), jnp.float32),
                 jax.ShapeDtypeStruct((n, _W), jnp.float32)],
  )(x, w_rel, w_root)


def _tc_mid(agg, root, b, g, bb, w2_rel, w2_root, n_real):
  def body(agg_ref, root_ref, b_ref, g_ref, bb_ref, wrel_ref, wroot_ref,
           y_ref, root2_ref):
    h = _bn_relu(agg_ref[0], agg_ref[1], root_ref[...], b_ref[...],
                 g_ref[...], bb_ref[...], n_real)
    y_ref[...] = _dot(h, wrel_ref[...])
    root2_ref[...] = _dot(h, wroot_ref[...])

  n = root.shape[0]
  return pl.pallas_call(
      body,
      out_shape=[jax.ShapeDtypeStruct((n, _W), jnp.float32),
                 jax.ShapeDtypeStruct((n, _W), jnp.float32)],
  )(agg, root, b, g, bb, w2_rel, w2_root)


def _tc_tail(agg, root, b, g, bb, batch_col, batch_row, lw1, lb1, lw2, lb2,
             n_groups, n_real):
  def body(agg_ref, root_ref, b_ref, g_ref, bb_ref, bcol_ref, brow_ref,
           lw1_ref, lb1_ref, lw2_ref, lb2_ref, out_ref):
    h = _bn_relu(agg_ref[0], agg_ref[1], root_ref[...], b_ref[...],
                 g_ref[...], bb_ref[...], n_real)
    out_ref[...] = _head(h, bcol_ref[...], brow_ref[...], lw1_ref[...],
                         lb1_ref[...], lw2_ref[...], lb2_ref[...],
                         n_groups, 20)

  return pl.pallas_call(
      body,
      out_shape=jax.ShapeDtypeStruct((n_groups, 1), jnp.float32),
  )(agg, root, b, g, bb, batch_col, batch_row, lw1, lb1, lw2, lb2)


def kernel(x, edge_index, batch, w1_root, w1_rel, b1, bn1_g, bn1_b,
           w2_root, w2_rel, b2, bn2_g, bn2_b, lw1, lb1, lw2, lb2):
  n = x.shape[0]
  n_groups = 64
  n_pad = ((n + _NS * 8 - 1) // (_NS * 8)) * (_NS * 8)

  def pad_w(w):
    return jnp.pad(w, ((0, _W - w.shape[0]), (0, _W - w.shape[1])))

  def pad_v(v, fill=0.0):
    return jnp.pad(v, (0, _W - v.shape[0]),
                   constant_values=fill).reshape(1, _W)

  w1_rel_p = jnp.pad(w1_rel, ((0, 0), (0, _W - w1_rel.shape[1])))
  w1_root_p = jnp.pad(w1_root, ((0, 0), (0, _W - w1_root.shape[1])))
  w2_rel_p = pad_w(w2_rel)
  w2_root_p = pad_w(w2_root)
  b1_p = pad_v(b1)
  g1_p = pad_v(bn1_g, 1.0)
  bb1_p = pad_v(bn1_b)
  b2_p = pad_v(b2)
  g2_p = pad_v(bn2_g, 1.0)
  bb2_p = pad_v(bn2_b)

  e = edge_index.shape[1]
  blk_per_tile = -(-e // (_NW * _K * _NBUF)) * _NBUF
  e_pad = blk_per_tile * _NW * _K
  src = jnp.pad(edge_index[0], (0, e_pad - e),
                constant_values=n_pad - 1).reshape(-1, _K)
  dst = jnp.pad(edge_index[1], (0, e_pad - e),
                constant_values=n_pad - 1).reshape(-1, _K)
  zeros = jnp.zeros((n_pad, _W), jnp.float32)
  x_p = jnp.pad(x, ((0, n_pad - n), (0, 0)))
  batch_p = jnp.pad(batch, (0, n_pad - n), constant_values=n_groups)
  batch_col = batch_p.reshape(n_pad, 1)
  batch_row = batch_p.reshape(1, n_pad)
  lb1_r = lb1.reshape(1, -1)
  lb2_r = lb2.reshape(1, -1)

  y1, root1 = _tc_project(x_p, w1_rel_p, w1_root_p)
  agg1 = _sc_segment_sum(y1, src, dst, zeros)
  y2, root2 = _tc_mid(agg1, root1, b1_p, g1_p, bb1_p, w2_rel_p, w2_root_p, n)
  agg2 = _sc_segment_sum(y2, src, dst, zeros)
  return _tc_tail(agg2, root2, b2_p, g2_p, bb2_p, batch_col, batch_row,
                  lw1, lb1_r, lw2, lb2_r, n_groups, n)

# --- scband reference (transcript-rebuilt; emitter-appended) ---
"""Pipeline reference for scband-graph-conv-model-17635135718037 (READ-ONLY COPY).

The authoritative reference and input builder live on the scoring server;
editing this copy changes nothing except your own understanding.
"""

import jax, jax.numpy as jnp
import numpy as np

N = 10000
E = 320000
D = 128
G = 64

def setup_inputs(seed: int = 0):
    key = jax.random.key(seed)
    ks = jax.random.split(key, 12)
    x = jax.random.normal(ks[0], (N, D), dtype=jnp.float32)
    edge_index = jax.random.randint(ks[1], (2, E), 0, N, dtype=jnp.int32)
    batch = jnp.sort(jax.random.randint(ks[2], (N,), 0, G, dtype=jnp.int32))
    w1_root = jax.random.normal(ks[3], (D, 30), dtype=jnp.float32) * 0.05
    w1_rel = jax.random.normal(ks[4], (D, 30), dtype=jnp.float32) * 0.05
    b1 = jnp.zeros((30,), dtype=jnp.float32)
    bn1_g = jnp.ones((30,), dtype=jnp.float32)
    bn1_b = jnp.zeros((30,), dtype=jnp.float32)
    w2_root = jax.random.normal(ks[5], (30, 20), dtype=jnp.float32) * 0.1
    w2_rel = jax.random.normal(ks[6], (30, 20), dtype=jnp.float32) * 0.1
    b2 = jnp.zeros((20,), dtype=jnp.float32)
    bn2_g = jnp.ones((20,), dtype=jnp.float32)
    bn2_b = jnp.zeros((20,), dtype=jnp.float32)
    lw1 = jax.random.normal(ks[7], (40, 10), dtype=jnp.float32) * 0.1
    lb1 = jnp.zeros((10,), dtype=jnp.float32)
    lw2 = jax.random.normal(ks[8], (10, 1), dtype=jnp.float32) * 0.1
    lb2 = jnp.zeros((1,), dtype=jnp.float32)
    return {"x": x, "edge_index": edge_index, "batch": batch,
            "w1_root": w1_root, "w1_rel": w1_rel, "b1": b1,
            "bn1_g": bn1_g, "bn1_b": bn1_b,
            "w2_root": w2_root, "w2_rel": w2_rel, "b2": b2,
            "bn2_g": bn2_g, "bn2_b": bn2_b,
            "lw1": lw1, "lb1": lb1, "lw2": lw2, "lb2": lb2}

def _graph_conv(x, edge_index, w_root, w_rel, b):
    # PyG GraphConv: out = lin_rel(sum_{j in N(i)} x_j) + lin_root(x_i)
    src = edge_index[0]
    dst = edge_index[1]
    agg = jax.ops.segment_sum(x[src], dst, num_segments=x.shape[0])
    return agg @ w_rel + b + x @ w_root

def _bn(x, g, b):
    # BatchNorm1d in training mode: batch statistics over the node axis
    mu = jnp.mean(x, axis=0)
    var = jnp.var(x, axis=0)
    return (x - mu) / jnp.sqrt(var + 1e-5) * g + b

def reference(x, edge_index, batch, w1_root, w1_rel, b1, bn1_g, bn1_b,
              w2_root, w2_rel, b2, bn2_g, bn2_b, lw1, lb1, lw2, lb2):
    # dropout layers are identity at inference
    h = jax.nn.relu(_graph_conv(x, edge_index, w1_root, w1_rel, b1))
    h = _bn(h, bn1_g, bn1_b)
    h = jax.nn.relu(_graph_conv(h, edge_index, w2_root, w2_rel, b2))
    h = _bn(h, bn2_g, bn2_b)
    seg_max = jax.ops.segment_max(h, batch, num_segments=G)
    counts = jax.ops.segment_sum(jnp.ones((h.shape[0], 1), h.dtype), batch, num_segments=G)
    seg_sum = jax.ops.segment_sum(h, batch, num_segments=G)
    seg_mean = seg_sum / jnp.maximum(counts, 1.0)
    seg_max = jnp.where(counts > 0, seg_max, 0.0)
    z = jnp.concatenate([seg_max, seg_mean], axis=1)
    z = jax.nn.relu(z @ lw1 + lb1)
    z = z @ lw2 + lb2
    return jax.nn.sigmoid(z)

if __name__ == "__main__":
    import jax
    _d = setup_inputs()
    print(jax.jit(kernel)(*tuple(_d.values())))

</pallas_src>

<mosaic_0001>
#map = affine_map<(d0, d1) -> (0, 0)>
#map1 = affine_map<(d0, d1) -> (0, 0, 0)>
module attributes {stable_mosaic.version = 14 : i64} {
  func.func @body(%arg0: i32, %arg1: i32, %arg2: memref<10112x32xf32, #tpu.memory_space<hbm>>, %arg3: memref<2560x128xi32, #tpu.memory_space<hbm>>, %arg4: memref<2560x128xi32, #tpu.memory_space<hbm>>, %arg5: memref<10112x32xf32, #tpu.memory_space<hbm>>, %arg6: memref<2x10112x32xf32, #tpu.memory_space<hbm>>, %arg7: memref<80x128xi32, #tpu.memory_space<vmem>>, %arg8: memref<80x128xi32, #tpu.memory_space<vmem>>, %arg9: memref<128x32xf32, #tpu.memory_space<vmem>>, %arg10: memref<128x32xf32, #tpu.memory_space<vmem>>, %arg11: memref<128x32xf32, #tpu.memory_space<vmem>>, %arg12: memref<128x32xf32, #tpu.memory_space<vmem>>, %arg13: memref<128x32xf32, #tpu.memory_space<vmem>>, %arg14: memref<128x32xf32, #tpu.memory_space<vmem>>, %arg15: memref<128x32xf32, #tpu.memory_space<vmem>>, %arg16: memref<128x32xf32, #tpu.memory_space<vmem>>, %arg17: memref<!tpu.dma_semaphore, #tpu.memory_space<semaphore_mem>>, %arg18: memref<!tpu.dma_semaphore, #tpu.memory_space<semaphore_mem>>, %arg19: memref<!tpu.dma_semaphore, #tpu.memory_space<semaphore_mem>>, %arg20: memref<!tpu.dma_semaphore, #tpu.memory_space<semaphore_mem>>, %arg21: memref<!tpu.dma_semaphore, #tpu.memory_space<semaphore_mem>>, %arg22: memref<!tpu.dma_semaphore, #tpu.memory_space<semaphore_mem>>, %arg23: memref<!tpu.dma_semaphore, #tpu.memory_space<semaphore_mem>>, %arg24: memref<!tpu.dma_semaphore, #tpu.memory_space<semaphore_mem>>, %arg25: memref<!tpu.dma_semaphore, #tpu.memory_space<semaphore_mem>>, %arg26: memref<!tpu.dma_semaphore, #tpu.memory_space<semaphore_mem>>, %arg27: memref<!tpu.dma_semaphore, #tpu.memory_space<semaphore_mem>>, %arg28: memref<!tpu.dma_semaphore, #tpu.memory_space<semaphore_mem>>, %arg29: memref<!tpu.dma_semaphore, #tpu.memory_space<semaphore_mem>>, %arg30: memref<!tpu.dma_semaphore, #tpu.memory_space<semaphore_mem>>, %arg31: memref<!tpu.dma_semaphore, #tpu.memory_space<semaphore_mem>>, %arg32: memref<!tpu.dma_semaphore, #tpu.memory_space<semaphore_mem>>, %arg33: memref<10112x32xf32, #tpu.memory_space<vmem_shared>>, %arg34: memref<10112x32xf32, #tpu.memory_space<vmem_shared>>) attributes {dimension_semantics = [#tpu.dimension_semantics<core_parallel>, #tpu.dimension_semantics<subcore_parallel>], iteration_bounds = array<i64: 2, 16>, scalar_prefetch = 0 : i64, scratch_operands = 28 : i64, tpu.core_type = #tpu.core_type<sc_vector_subcore>, window_params = [{transform_indices = #map}, {transform_indices = #map}, {transform_indices = #map}, {transform_indices = #map}, {transform_indices = #map1}]} {
    %mul3A = arith.constant 16 : i32
    %mul3A_0 = arith.muli %arg0, %mul3A : i32
    %add3A = arith.addi %mul3A_0, %arg1 : i32
    %mul3A_1 = arith.constant 80 : i32
    %mul3A_2 = arith.muli %add3A, %mul3A_1 : i32
    "tpu.region"() ({
      %run_scoped3A = tpu.sem_alloc : memref<!tpu.dma_semaphore, #tpu.memory_space<semaphore_mem>>
      %dma_start3A_78 = arith.constant 0 : i32
      %dma_start3A_79 = tpu.memref_slice %arg3[%mul3A_2, %dma_start3A_78] : memref<2560x128xi32, #tpu.memory_space<hbm>> -> memref<80x128xi32, #tpu.memory_space<hbm>>
      %dma_start3A_80 = arith.constant 0 : i32
      %dma_start3A_81 = tpu.memref_slice %arg3[%mul3A_2, %dma_start3A_80] : memref<2560x128xi32, #tpu.memory_space<hbm>> -> memref<80x128xi32, #tpu.memory_space<hbm>>
      tpu.enqueue_dma source(%dma_start3A_81 : memref<80x128xi32, #tpu.memory_space<hbm>>) target(%arg7 : memref<80x128xi32, #tpu.memory_space<vmem>>) target_semaphore(%run_scoped3A : memref<!tpu.dma_semaphore, #tpu.memory_space<semaphore_mem>>)
      %dma_wait3A = arith.constant 0 : i32
      %dma_wait3A_82 = tpu.memref_slice %arg3[%mul3A_2, %dma_wait3A] : memref<2560x128xi32, #tpu.memory_space<hbm>> -> memref<80x128xi32, #tpu.memory_space<hbm>>
      %dma_wait3A_83 = arith.constant 0 : i32
      %dma_wait3A_84 = tpu.memref_slice %arg3[%mul3A_2, %dma_wait3A_83] : memref<2560x128xi32, #tpu.memory_space<hbm>> -> memref<80x128xi32, #tpu.memory_space<hbm>>
      tpu.wait_dma2 semaphore(%run_scoped3A : memref<!tpu.dma_semaphore, #tpu.memory_space<semaphore_mem>>) src(%dma_wait3A_84 : memref<80x128xi32, #tpu.memory_space<hbm>>) dst(%arg7 : memref<80x128xi32, #tpu.memory_space<vmem>>)
      tpu.yield
    }) : () -> ()
    %mul3A_3 = arith.constant 80 : i32
    %mul3A_4 = arith.muli %add3A, %mul3A_3 : i32
    "tpu.region"() ({
      %run_scoped3A = tpu.sem_alloc : memref<!tpu.dma_semaphore, #tpu.memory_space<semaphore_mem>>
      %dma_start3A_78 = arith.constant 0 : i32
      %dma_start3A_79 = tpu.memref_slice %arg4[%mul3A_4, %dma_start3A_78] : memref<2560x128xi32, #tpu.memory_space<hbm>> -> memref<80x128xi32, #tpu.memory_space<hbm>>
      %dma_start3A_80 = arith.constant 0 : i32
      %dma_start3A_81 = tpu.memref_slice %arg4[%mul3A_4, %dma_start3A_80] : memref<2560x128xi32, #tpu.memory_space<hbm>> -> memref<80x128xi32, #tpu.memory_space<hbm>>
      tpu.enqueue_dma source(%dma_start3A_81 : memref<80x128xi32, #tpu.memory_space<hbm>>) target(%arg8 : memref<80x128xi32, #tpu.memory_space<vmem>>) target_semaphore(%run_scoped3A : memref<!tpu.dma_semaphore, #tpu.memory_space<semaphore_mem>>)
      %dma_wait3A = arith.constant 0 : i32
      %dma_wait3A_82 = tpu.memref_slice %arg4[%mul3A_4, %dma_wait3A] : memref<2560x128xi32, #tpu.memory_space<hbm>> -> memref<80x128xi32, #tpu.memory_space<hbm>>
      %dma_wait3A_83 = arith.constant 0 : i32
      %dma_wait3A_84 = tpu.memref_slice %arg4[%mul3A_4, %dma_wait3A_83] : memref<2560x128xi32, #tpu.memory_space<hbm>> -> memref<80x128xi32, #tpu.memory_space<hbm>>
      tpu.wait_dma2 semaphore(%run_scoped3A : memref<!tpu.dma_semaphore, #tpu.memory_space<semaphore_mem>>) src(%dma_wait3A_84 : memref<80x128xi32, #tpu.memory_space<hbm>>) dst(%arg8 : memref<80x128xi32, #tpu.memory_space<vmem>>)
      tpu.yield
    }) : () -> ()
    %mul3A_5 = arith.constant 632 : i32
    %mul3A_6 = arith.muli %arg1, %mul3A_5 : i32
    %mul3A_7 = arith.constant 632 : i32
    %mul3A_8 = arith.muli %arg1, %mul3A_7 : i32
    "tpu.region"() ({
      %run_scoped3A = tpu.sem_alloc : memref<!tpu.dma_semaphore, #tpu.memory_space<semaphore_mem>>
      %dma_start3A_78 = arith.constant 0 : i32
      %dma_start3A_79 = tpu.memref_slice %arg34[%mul3A_8, %dma_start3A_78] : memref<10112x32xf32, #tpu.memory_space<vmem_shared>> -> memref<632x32xf32, #tpu.memory_space<vmem_shared>>
      %dma_start3A_80 = arith.constant 0 : i32
      %dma_start3A_81 = tpu.memref_slice %arg2[%mul3A_6, %dma_start3A_80] : memref<10112x32xf32, #tpu.memory_space<hbm>> -> memref<632x32xf32, #tpu.memory_space<hbm>>
      tpu.enqueue_dma source(%dma_start3A_81 : memref<632x32xf32, #tpu.memory_space<hbm>>) target(%dma_start3A_79 : memref<632x32xf32, #tpu.memory_space<vmem_shared>>) target_semaphore(%run_scoped3A : memref<!tpu.dma_semaphore, #tpu.memory_space<semaphore_mem>>)
      %dma_wait3A = arith.constant 0 : i32
      %dma_wait3A_82 = tpu.memref_slice %arg34[%mul3A_8, %dma_wait3A] : memref<10112x32xf32, #tpu.memory_space<vmem_shared>> -> memref<632x32xf32, #tpu.memory_space<vmem_shared>>
      %dma_wait3A_83 = arith.constant 0 : i32
      %dma_wait3A_84 = tpu.memref_slice %arg2[%mul3A_6, %dma_wait3A_83] : memref<10112x32xf32, #tpu.memory_space<hbm>> -> memref<632x32xf32, #tpu.memory_space<hbm>>
      tpu.wait_dma2 semaphore(%run_scoped3A : memref<!tpu.dma_semaphore, #tpu.memory_space<semaphore_mem>>) src(%dma_wait3A_84 : memref<632x32xf32, #tpu.memory_space<hbm>>) dst(%dma_wait3A_82 : memref<632x32xf32, #tpu.memory_space<vmem_shared>>)
      tpu.yield
    }) : () -> ()
    %mul3A_9 = arith.constant 632 : i32
    %mul3A_10 = arith.muli %arg1, %mul3A_9 : i32
    %mul3A_11 = arith.constant 632 : i32
    %mul3A_12 = arith.muli %arg1, %mul3A_11 : i32
    "tpu.region"() ({
      %run_scoped3A = tpu.sem_alloc : memref<!tpu.dma_semaphore, #tpu.memory_space<semaphore_mem>>
      %dma_start3A_78 = arith.constant 0 : i32
      %dma_start3A_79 = tpu.memref_slice %arg33[%mul3A_12, %dma_start3A_78] : memref<10112x32xf32, #tpu.memory_space<vmem_shared>> -> memref<632x32xf32, #tpu.memory_space<vmem_shared>>
      %dma_start3A_80 = arith.constant 0 : i32
      %dma_start3A_81 = tpu.memref_slice %arg5[%mul3A_10, %dma_start3A_80] : memref<10112x32xf32, #tpu.memory_space<hbm>> -> memref<632x32xf32, #tpu.memory_space<hbm>>
      tpu.enqueue_dma source(%dma_start3A_81 : memref<632x32xf32, #tpu.memory_space<hbm>>) target(%dma_start3A_79 : memref<632x32xf32, #tpu.memory_space<vmem_shared>>) target_semaphore(%run_scoped3A : memref<!tpu.dma_semaphore, #tpu.memory_space<semaphore_mem>>)
      %dma_wait3A = arith.constant 0 : i32
      %dma_wait3A_82 = tpu.memref_slice %arg33[%mul3A_12, %dma_wait3A] : memref<10112x32xf32, #tpu.memory_space<vmem_shared>> -> memref<632x32xf32, #tpu.memory_space<vmem_shared>>
      %dma_wait3A_83 = arith.constant 0 : i32
      %dma_wait3A_84 = tpu.memref_slice %arg5[%mul3A_10, %dma_wait3A_83] : memref<10112x32xf32, #tpu.memory_space<hbm>> -> memref<632x32xf32, #tpu.memory_space<hbm>>
      tpu.wait_dma2 semaphore(%run_scoped3A : memref<!tpu.dma_semaphore, #tpu.memory_space<semaphore_mem>>) src(%dma_wait3A_84 : memref<632x32xf32, #tpu.memory_space<hbm>>) dst(%dma_wait3A_82 : memref<632x32xf32, #tpu.memory_space<vmem_shared>>)
      tpu.yield
    }) : () -> ()
    %barrier3A = arith.constant 0 : index
    tpu.barrier barrier_id(%barrier3A)
    %dma_start3A = arith.constant 0 : i32
    %dma_start3A_13 = arith.constant 0 : i32
    %dma_start3A_14 = tpu.memref_slice %arg7[%dma_start3A, %dma_start3A_13] : memref<80x128xi32, #tpu.memory_space<vmem>> -> memref<1x128xi32, #tpu.memory_space<vmem>>
    %dma_start3A_15 = tpu.memref_squeeze %dma_start3A_14 : memref<1x128xi32, #tpu.memory_space<vmem>> -> memref<128xi32, #tpu.memory_space<vmem>>
    %dma_start3A_16 = arith.constant 0 : i32
    %dma_start3A_17 = arith.constant 0 : i32
    %dma_start3A_18 = tpu.memref_slice %arg34[%dma_start3A_16, %dma_start3A_17] : memref<10112x32xf32, #tpu.memory_space<vmem_shared>> -> memref<10112x32xf32, #tpu.memory_space<vmem_shared>>
    tpu.enqueue_indirect_dma source(%dma_start3A_18 : memref<10112x32xf32, #tpu.memory_space<vmem_shared>>) target(%arg9 : memref<128x32xf32, #tpu.memory_space<vmem>>) offsets(%dma_start3A_15 : memref<128xi32, #tpu.memory_space<vmem>>) semaphore(%arg17 : memref<!tpu.dma_semaphore, #tpu.memory_space<semaphore_mem>>)
    %dma_start3A_19 = arith.constant 1 : i32
    %dma_start3A_20 = arith.constant 0 : i32
    %dma_start3A_21 = tpu.memref_slice %arg7[%dma_start3A_19, %dma_start3A_20] : memref<80x128xi32, #tpu.memory_space<vmem>> -> memref<1x128xi32, #tpu.memory_space<vmem>>
    %dma_start3A_22 = tpu.memref_squeeze %dma_start3A_21 : memref<1x128xi32, #tpu.memory_space<vmem>> -> memref<128xi32, #tpu.memory_space<vmem>>
    %dma_start3A_23 = arith.constant 0 : i32
    %dma_start3A_24 = arith.constant 0 : i32
    %dma_start3A_25 = tpu.memref_slice %arg34[%dma_start3A_23, %dma_start3A_24] : memref<10112x32xf32, #tpu.memory_space<vmem_shared>> -> memref<10112x32xf32, #tpu.memory_space<vmem_shared>>
    tpu.enqueue_indirect_dma source(%dma_start3A_25 : memref<10112x32xf32, #tpu.memory_space<vmem_shared>>) target(%arg10 : memref<128x32xf32, #tpu.memory_space<vmem>>) offsets(%dma_start3A_22 : memref<128xi32, #tpu.memory_space<vmem>>) semaphore(%arg18 : memref<!tpu.dma_semaphore, #tpu.memory_space<semaphore_mem>>)
    %dma_start3A_26 = arith.constant 2 : i32
    %dma_start3A_27 = arith.constant 0 : i32
    %dma_start3A_28 = tpu.memref_slice %arg7[%dma_start3A_26, %dma_start3A_27] : memref<80x128xi32, #tpu.memory_space<vmem>> -> memref<1x128xi32, #tpu.memory_space<vmem>>
    %dma_start3A_29 = tpu.memref_squeeze %dma_start3A_28 : memref<1x128xi32, #tpu.memory_space<vmem>> -> memref<128xi32, #tpu.memory_space<vmem>>
    %dma_start3A_30 = arith.constant 0 : i32
    %dma_start3A_31 = arith.constant 0 : i32
    %dma_start3A_32 = tpu.memref_slice %arg34[%dma_start3A_30, %dma_start3A_31] : memref<10112x32xf32, #tpu.memory_space<vmem_shared>> -> memref<10112x32xf32, #tpu.memory_space<vmem_shared>>
    tpu.enqueue_indirect_dma source(%dma_start3A_32 : memref<10112x32xf32, #tpu.memory_space<vmem_shared>>) target(%arg11 : memref<128x32xf32, #tpu.memory_space<vmem>>) offsets(%dma_start3A_29 : memref<128xi32, #tpu.memory_space<vmem>>) semaphore(%arg19 : memref<!tpu.dma_semaphore, #tpu.memory_space<semaphore_mem>>)
    %dma_start3A_33 = arith.constant 3 : i32
    %dma_start3A_34 = arith.constant 0 : i32
    %dma_start3A_35 = tpu.memref_slice %arg7[%dma_start3A_33, %dma_start3A_34] : memref<80x128xi32, #tpu.memory_space<vmem>> -> memref<1x128xi32, #tpu.memory_space<vmem>>
    %dma_start3A_36 = tpu.memref_squeeze %dma_start3A_35 : memref<1x128xi32, #tpu.memory_space<vmem>> -> memref<128xi32, #tpu.memory_space<vmem>>
    %dma_start3A_37 = arith.constant 0 : i32
    %dma_start3A_38 = arith.constant 0 : i32
    %dma_start3A_39 = tpu.memref_slice %arg34[%dma_start3A_37, %dma_start3A_38] : memref<10112x32xf32, #tpu.memory_space<vmem_shared>> -> memref<10112x32xf32, #tpu.memory_space<vmem_shared>>
    tpu.enqueue_indirect_dma source(%dma_start3A_39 : memref<10112x32xf32, #tpu.memory_space<vmem_shared>>) target(%arg12 : memref<128x32xf32, #tpu.memory_space<vmem>>) offsets(%dma_start3A_36 : memref<128xi32, #tpu.memory_space<vmem>>) semaphore(%arg20 : memref<!tpu.dma_semaphore, #tpu.memory_space<semaphore_mem>>)
    %dma_start3A_40 = arith.constant 4 : i32
    %dma_start3A_41 = arith.constant 0 : i32
    %dma_start3A_42 = tpu.memref_slice %arg7[%dma_start3A_40, %dma_start3A_41] : memref<80x128xi32, #tpu.memory_space<vmem>> -> memref<1x128xi32, #tpu.memory_space<vmem>>
    %dma_start3A_43 = tpu.memref_squeeze %dma_start3A_42 : memref<1x128xi32, #tpu.memory_space<vmem>> -> memref<128xi32, #tpu.memory_space<vmem>>
    %dma_start3A_44 = arith.constant 0 : i32
    %dma_start3A_45 = arith.constant 0 : i32
    %dma_start3A_46 = tpu.memref_slice %arg34[%dma_start3A_44, %dma_start3A_45] : memref<10112x32xf32, #tpu.memory_space<vmem_shared>> -> memref<10112x32xf32, #tpu.memory_space<vmem_shared>>
    tpu.enqueue_indirect_dma source(%dma_start3A_46 : memref<10112x32xf32, #tpu.memory_space<vmem_shared>>) target(%arg13 : memref<128x32xf32, #tpu.memory_space<vmem>>) offsets(%dma_start3A_43 : memref<128xi32, #tpu.memory_space<vmem>>) semaphore(%arg21 : memref<!tpu.dma_semaphore, #tpu.memory_space<semaphore_mem>>)
    %dma_start3A_47 = arith.constant 5 : i32
    %dma_start3A_48 = arith.constant 0 : i32
    %dma_start3A_49 = tpu.memref_slice %arg7[%dma_start3A_47, %dma_start3A_48] : memref<80x128xi32, #tpu.memory_space<vmem>> -> memref<1x128xi32, #tpu.memory_space<vmem>>
    %dma_start3A_50 = tpu.memref_squeeze %dma_start3A_49 : memref<1x128xi32, #tpu.memory_space<vmem>> -> memref<128xi32, #tpu.memory_space<vmem>>
    %dma_start3A_51 = arith.constant 0 : i32
    %dma_start3A_52 = arith.constant 0 : i32
    %dma_start3A_53 = tpu.memref_slice %arg34[%dma_start3A_51, %dma_start3A_52] : memref<10112x32xf32, #tpu.memory_space<vmem_shared>> -> memref<10112x32xf32, #tpu.memory_space<vmem_shared>>
    tpu.enqueue_indirect_dma source(%dma_start3A_53 : memref<10112x32xf32, #tpu.memory_space<vmem_shared>>) target(%arg14 : memref<128x32xf32, #tpu.memory_space<vmem>>) offsets(%dma_start3A_50 : memref<128xi32, #tpu.memory_space<vmem>>) semaphore(%arg22 : memref<!tpu.dma_semaphore, #tpu.memory_space<semaphore_mem>>)
    %dma_start3A_54 = arith.constant 6 : i32
    %dma_start3A_55 = arith.constant 0 : i32
    %dma_start3A_56 = tpu.memref_slice %arg7[%dma_start3A_54, %dma_start3A_55] : memref<80x128xi32, #tpu.memory_space<vmem>> -> memref<1x128xi32, #tpu.memory_space<vmem>>
    %dma_start3A_57 = tpu.memref_squeeze %dma_start3A_56 : memref<1x128xi32, #tpu.memory_space<vmem>> -> memref<128xi32, #tpu.memory_space<vmem>>
    %dma_start3A_58 = arith.constant 0 : i32
    %dma_start3A_59 = arith.constant 0 : i32
    %dma_start3A_60 = tpu.memref_slice %arg34[%dma_start3A_58, %dma_start3A_59] : memref<10112x32xf32, #tpu.memory_space<vmem_shared>> -> memref<10112x32xf32, #tpu.memory_space<vmem_shared>>
    tpu.enqueue_indirect_dma source(%dma_start3A_60 : memref<10112x32xf32, #tpu.memory_space<vmem_shared>>) target(%arg15 : memref<128x32xf32, #tpu.memory_space<vmem>>) offsets(%dma_start3A_57 : memref<128xi32, #tpu.memory_space<vmem>>) semaphore(%arg23 : memref<!tpu.dma_semaphore, #tpu.memory_space<semaphore_mem>>)
    %dma_start3A_61 = arith.constant 7 : i32
    %dma_start3A_62 = arith.constant 0 : i32
    %dma_start3A_63 = tpu.memref_slice %arg7[%dma_start3A_61, %dma_start3A_62] : memref<80x128xi32, #tpu.memory_space<vmem>> -> memref<1x128xi32, #tpu.memory_space<vmem>>
    %dma_start3A_64 = tpu.memref_squeeze %dma_start3A_63 : memref<1x128xi32, #tpu.memory_space<vmem>> -> memref<128xi32, #tpu.memory_space<vmem>>
    %dma_start3A_65 = arith.constant 0 : i32
    %dma_start3A_66 = arith.constant 0 : i32
    %dma_start3A_67 = tpu.memref_slice %arg34[%dma_start3A_65, %dma_start3A_66] : memref<10112x32xf32, #tpu.memory_space<vmem_shared>> -> memref<10112x32xf32, #tpu.memory_space<vmem_shared>>
    tpu.enqueue_indirect_dma source(%dma_start3A_67 : memref<10112x32xf32, #tpu.memory_space<vmem_shared>>) target(%arg16 : memref<128x32xf32, #tpu.memory_space<vmem>>) offsets(%dma_start3A_64 : memref<128xi32, #tpu.memory_space<vmem>>) semaphore(%arg24 : memref<!tpu.dma_semaphore, #tpu.memory_space<semaphore_mem>>)
    %scan3A = arith.constant 0 : i32
    %scan3A_68 = arith.constant 0 : i32
    %scan3A_69 = arith.constant 10 : i32
    %scan3A_70 = arith.addi %scan3A_68, %scan3A_69 : i32
    %scan3A_71 = arith.constant 1 : i32
    scf.for %scan3A_78 = %scan3A_68 to %scan3A_70 step %scan3A_71  : i32 {
      %mul3A_79 = arith.constant 8 : i32
      %mul3A_80 = arith.muli %scan3A_78, %mul3A_79 : i32
      %dma_wait3A = arith.constant 0 : i32
      %dma_wait3A_81 = arith.constant 0 : i32
      %dma_wait3A_82 = tpu.memref_slice %arg2[%dma_wait3A, %dma_wait3A_81] : memref<10112x32xf32, #tpu.memory_space<hbm>> -> memref<128x32xf32, #tpu.memory_space<hbm>>
      %dma_wait3A_83 = arith.constant 0 : i32
      %dma_wait3A_84 = arith.constant 0 : i32
      %dma_wait3A_85 = tpu.memref_slice %arg2[%dma_wait3A_83, %dma_wait3A_84] : memref<10112x32xf32, #tpu.memory_space<hbm>> -> memref<128x32xf32, #tpu.memory_space<hbm>>
      tpu.wait_dma2 semaphore(%arg17 : memref<!tpu.dma_semaphore, #tpu.memory_space<semaphore_mem>>) src(%dma_wait3A_85 : memref<128x32xf32, #tpu.memory_space<hbm>>) dst(%arg9 : memref<128x32xf32, #tpu.memory_space<vmem>>)
      %add3A_86 = arith.constant 0 : i32
      %add3A_87 = arith.addi %mul3A_80, %add3A_86 : i32
      %dma_start3A_88 = arith.constant 0 : i32
      %dma_start3A_89 = tpu.memref_slice %arg8[%add3A_87, %dma_start3A_88] : memref<80x128xi32, #tpu.memory_space<vmem>> -> memref<1x128xi32, #tpu.memory_space<vmem>>
      %dma_start3A_90 = tpu.memref_squeeze %dma_start3A_89 : memref<1x128xi32, #tpu.memory_space<vmem>> -> memref<128xi32, #tpu.memory_space<vmem>>
      %dma_start3A_91 = arith.constant 0 : i32
      %dma_start3A_92 = arith.constant 0 : i32
      %dma_start3A_93 = tpu.memref_slice %arg33[%dma_start3A_91, %dma_start3A_92] : memref<10112x32xf32, #tpu.memory_space<vmem_shared>> -> memref<10112x32xf32, #tpu.memory_space<vmem_shared>>
      tpu.enqueue_indirect_dma source(%arg9 : memref<128x32xf32, #tpu.memory_space<vmem>>) target(%dma_start3A_93 : memref<10112x32xf32, #tpu.memory_space<vmem_shared>>) offsets(%dma_start3A_90 : memref<128xi32, #tpu.memory_space<vmem>>) semaphore(%arg25 : memref<!tpu.dma_semaphore, #tpu.memory_space<semaphore_mem>>) {add = true}
      %dma_wait3A_94 = arith.constant 0 : i32
      %dma_wait3A_95 = arith.constant 0 : i32
      %dma_wait3A_96 = tpu.memref_slice %arg2[%dma_wait3A_94, %dma_wait3A_95] : memref<10112x32xf32, #tpu.memory_space<hbm>> -> memref<128x32xf32, #tpu.memory_space<hbm>>
      %dma_wait3A_97 = arith.constant 0 : i32
      %dma_wait3A_98 = arith.constant 0 : i32
      %dma_wait3A_99 = tpu.memref_slice %arg2[%dma_wait3A_97, %dma_wait3A_98] : memref<10112x32xf32, #tpu.memory_space<hbm>> -> memref<128x32xf32, #tpu.memory_space<hbm>>
      tpu.wait_dma2 semaphore(%arg18 : memref<!tpu.dma_semaphore, #tpu.memory_space<semaphore_mem>>) src(%dma_wait3A_99 : memref<128x32xf32, #tpu.memory_space<hbm>>) dst(%arg10 : memref<128x32xf32, #tpu.memory_space<vmem>>)
      %add3A_100 = arith.constant 1 : i32
      %add3A_101 = arith.addi %mul3A_80, %add3A_100 : i32
      %dma_start3A_102 = arith.constant 0 : i32
      %dma_start3A_103 = tpu.memref_slice %arg8[%add3A_101, %dma_start3A_102] : memref<80x128xi32, #tpu.memory_space<vmem>> -> memref<1x128xi32, #tpu.memory_space<vmem>>
      %dma_start3A_104 = tpu.memref_squeeze %dma_start3A_103 : memref<1x128xi32, #tpu.memory_space<vmem>> -> memref<128xi32, #tpu.memory_space<vmem>>
      %dma_start3A_105 = arith.constant 0 : i32
      %dma_start3A_106 = arith.constant 0 : i32
      %dma_start3A_107 = tpu.memref_slice %arg33[%dma_start3A_105, %dma_start3A_106] : memref<10112x32xf32, #tpu.memory_space<vmem_shared>> -> memref<10112x32xf32, #tpu.memory_space<vmem_shared>>
      tpu.enqueue_indirect_dma source(%arg10 : memref<128x32xf32, #tpu.memory_space<vmem>>) target(%dma_start3A_107 : memref<10112x32xf32, #tpu.memory_space<vmem_shared>>) offsets(%dma_start3A_104 : memref<128xi32, #tpu.memory_space<vmem>>) semaphore(%arg26 : memref<!tpu.dma_semaphore, #tpu.memory_space<semaphore_mem>>) {add = true}
      %dma_wait3A_108 = arith.constant 0 : i32
      %dma_wait3A_109 = arith.constant 0 : i32
      %dma_wait3A_110 = tpu.memref_slice %arg2[%dma_wait3A_108, %dma_wait3A_109] : memref<10112x32xf32, #tpu.memory_space<hbm>> -> memref<128x32xf32, #tpu.memory_space<hbm>>
      %dma_wait3A_111 = arith.constant 0 : i32
      %dma_wait3A_112 = arith.constant 0 : i32
      %dma_wait3A_113 = tpu.memref_slice %arg2[%dma_wait3A_111, %dma_wait3A_112] : memref<10112x32xf32, #tpu.memory_space<hbm>> -> memref<128x32xf32, #tpu.memory_space<hbm>>
      tpu.wait_dma2 semaphore(%arg19 : memref<!tpu.dma_semaphore, #tpu.memory_space<semaphore_mem>>) src(%dma_wait3A_113 : memref<128x32xf32, #tpu.memory_space<hbm>>) dst(%arg11 : memref<128x32xf32, #tpu.memory_space<vmem>>)
      %add3A_114 = arith.constant 2 : i32
      %add3A_115 = arith.addi %mul3A_80, %add3A_114 : i32
      %dma_start3A_116 = arith.constant 0 : i32
      %dma_start3A_117 = tpu.memref_slice %arg8[%add3A_115, %dma_start3A_116] : memref<80x128xi32, #tpu.memory_space<vmem>> -> memref<1x128xi32, #tpu.memory_space<vmem>>
      %dma_start3A_118 = tpu.memref_squeeze %dma_start3A_117 : memref<1x128xi32, #tpu.memory_space<vmem>> -> memref<128xi32, #tpu.memory_space<vmem>>
      %dma_start3A_119 = arith.constant 0 : i32
      %dma_start3A_120 = arith.constant 0 : i32
      %dma_start3A_121 = tpu.memref_slice %arg33[%dma_start3A_119, %dma_start3A_120] : memref<10112x32xf32, #tpu.memory_space<vmem_shared>> -> memref<10112x32xf32, #tpu.memory_space<vmem_shared>>
      tpu.enqueue_indirect_dma source(%arg11 : memref<128x32xf32, #tpu.memory_space<vmem>>) target(%dma_start3A_121 : memref<10112x32xf32, #tpu.memory_space<vmem_shared>>) offsets(%dma_start3A_118 : memref<128xi32, #tpu.memory_space<vmem>>) semaphore(%arg27 : memref<!tpu.dma_semaphore, #tpu.memory_space<semaphore_mem>>) {add = true}
      %dma_wait3A_122 = arith.constant 0 : i32
      %dma_wait3A_123 = arith.constant 0 : i32
      %dma_wait3A_124 = tpu.memref_slice %arg2[%dma_wait3A_122, %dma_wait3A_123] : memref<10112x32xf32, #tpu.memory_space<hbm>> -> memref<128x32xf32, #tpu.memory_space<hbm>>
      %dma_wait3A_125 = arith.constant 0 : i32
      %dma_wait3A_126 = arith.constant 0 : i32
      %dma_wait3A_127 = tpu.memref_slice %arg2[%dma_wait3A_125, %dma_wait3A_126] : memref<10112x32xf32, #tpu.memory_space<hbm>> -> memref<128x32xf32, #tpu.memory_space<hbm>>
      tpu.wait_dma2 semaphore(%arg20 : memref<!tpu.dma_semaphore, #tpu.memory_space<semaphore_mem>>) src(%dma_wait3A_127 : memref<128x32xf32, #tpu.memory_space<hbm>>) dst(%arg12 : memref<128x32xf32, #tpu.memory_space<vmem>>)
      %add3A_128 = arith.constant 3 : i32
      %add3A_129 = arith.addi %mul3A_80, %add3A_128 : i32
      %dma_start3A_130 = arith.constant 0 : i32
      %dma_start3A_131 = tpu.memref_slice %arg8[%add3A_129, %dma_start3A_130] : memref<80x128xi32, #tpu.memory_space<vmem>> -> memref<1x128xi32, #tpu.memory_space<vmem>>
      %dma_start3A_132 = tpu.memref_squeeze %dma_start3A_131 : memref<1x128xi32, #tpu.memory_space<vmem>> -> memref<128xi32, #tpu.memory_space<vmem>>
      %dma_start3A_133 = arith.constant 0 : i32
      %dma_start3A_134 = arith.constant 0 : i32
      %dma_start3A_135 = tpu.memref_slice %arg33[%dma_start3A_133, %dma_start3A_134] : memref<10112x32xf32, #tpu.memory_space<vmem_shared>> -> memref<10112x32xf32, #tpu.memory_space<vmem_shared>>
      tpu.enqueue_indirect_dma source(%arg12 : memref<128x32xf32, #tpu.memory_space<vmem>>) target(%dma_start3A_135 : memref<10112x32xf32, #tpu.memory_space<vmem_shared>>) offsets(%dma_start3A_132 : memref<128xi32, #tpu.memory_space<vmem>>) semaphore(%arg28 : memref<!tpu.dma_semaphore, #tpu.memory_space<semaphore_mem>>) {add = true}
      %dma_wait3A_136 = arith.constant 0 : i32
      %dma_wait3A_137 = arith.constant 0 : i32
      %dma_wait3A_138 = tpu.memref_slice %arg2[%dma_wait3A_136, %dma_wait3A_137] : memref<10112x32xf32, #tpu.memory_space<hbm>> -> memref<128x32xf32, #tpu.memory_space<hbm>>
      %dma_wait3A_139 = arith.constant 0 : i32
      %dma_wait3A_140 = arith.constant 0 : i32
      %dma_wait3A_141 = tpu.memref_slice %arg2[%dma_wait3A_139, %dma_wait3A_140] : memref<10112x32xf32, #tpu.memory_space<hbm>> -> memref<128x32xf32, #tpu.memory_space<hbm>>
      tpu.wait_dma2 semaphore(%arg21 : memref<!tpu.dma_semaphore, #tpu.memory_space<semaphore_mem>>) src(%dma_wait3A_141 : memref<128x32xf32, #tpu.memory_space<hbm>>) dst(%arg13 : memref<128x32xf32, #tpu.memory_space<vmem>>)
      %add3A_142 = arith.constant 4 : i32
      %add3A_143 = arith.addi %mul3A_80, %add3A_142 : i32
      %dma_start3A_144 = arith.constant 0 : i32
      %dma_start3A_145 = tpu.memref_slice %arg8[%add3A_143, %dma_start3A_144] : memref<80x128xi32, #tpu.memory_space<vmem>> -> memref<1x128xi32, #tpu.memory_space<vmem>>
      %dma_start3A_146 = tpu.memref_squeeze %dma_start3A_145 : memref<1x128xi32, #tpu.memory_space<vmem>> -> memref<128xi32, #tpu.memory_space<vmem>>
      %dma_start3A_147 = arith.constant 0 : i32
      %dma_start3A_148 = arith.constant 0 : i32
      %dma_start3A_149 = tpu.memref_slice %arg33[%dma_start3A_147, %dma_start3A_148] : memref<10112x32xf32, #tpu.memory_space<vmem_shared>> -> memref<10112x32xf32, #tpu.memory_space<vmem_shared>>
      tpu.enqueue_indirect_dma source(%arg13 : memref<128x32xf32, #tpu.memory_space<vmem>>) target(%dma_start3A_149 : memref<10112x32xf32, #tpu.memory_space<vmem_shared>>) offsets(%dma_start3A_146 : memref<128xi32, #tpu.memory_space<vmem>>) semaphore(%arg29 : memref<!tpu.dma_semaphore, #tpu.memory_space<semaphore_mem>>) {add = true}
      %dma_wait3A_150 = arith.constant 0 : i32
      %dma_wait3A_151 = arith.constant 0 : i32
      %dma_wait3A_152 = tpu.memref_slice %arg2[%dma_wait3A_150, %dma_wait3A_151] : memref<10112x32xf32, #tpu.memory_space<hbm>> -> memref<128x32xf32, #tpu.memory_space<hbm>>
      %dma_wait3A_153 = arith.constant 0 : i32
      %dma_wait3A_154 = arith.constant 0 : i32
      %dma_wait3A_155 = tpu.memref_slice %arg2[%dma_wait3A_153, %dma_wait3A_154] : memref<10112x32xf32, #tpu.memory_space<hbm>> -> memref<128x32xf32, #tpu.memory_space<hbm>>
      tpu.wait_dma2 semaphore(%arg22 : memref<!tpu.dma_semaphore, #tpu.memory_space<semaphore_mem>>) src(%dma_wait3A_155 : memref<128x32xf32, #tpu.memory_space<hbm>>) dst(%arg14 : memref<128x32xf32, #tpu.memory_space<vmem>>)
      %add3A_156 = arith.constant 5 : i32
      %add3A_157 = arith.addi %mul3A_80, %add3A_156 : i32
      %dma_start3A_158 = arith.constant 0 : i32
      %dma_start3A_159 = tpu.memref_slice %arg8[%add3A_157, %dma_start3A_158] : memref<80x128xi32, #tpu.memory_space<vmem>> -> memref<1x128xi32, #tpu.memory_space<vmem>>
      %dma_start3A_160 = tpu.memref_squeeze %dma_start3A_159 : memref<1x128xi32, #tpu.memory_space<vmem>> -> memref<128xi32, #tpu.memory_space<vmem>>
      %dma_start3A_161 = arith.constant 0 : i32
      %dma_start3A_162 = arith.constant 0 : i32
      %dma_start3A_163 = tpu.memref_slice %arg33[%dma_start3A_161, %dma_start3A_162] : memref<10112x32xf32, #tpu.memory_space<vmem_shared>> -> memref<10112x32xf32, #tpu.memory_space<vmem_shared>>
      tpu.enqueue_indirect_dma source(%arg14 : memref<128x32xf32, #tpu.memory_space<vmem>>) target(%dma_start3A_163 : memref<10112x32xf32, #tpu.memory_space<vmem_shared>>) offsets(%dma_start3A_160 : memref<128xi32, #tpu.memory_space<vmem>>) semaphore(%arg30 : memref<!tpu.dma_semaphore, #tpu.memory_space<semaphore_mem>>) {add = true}
      %dma_wait3A_164 = arith.constant 0 : i32
      %dma_wait3A_165 = arith.constant 0 : i32
      %dma_wait3A_166 = tpu.memref_slice %arg2[%dma_wait3A_164, %dma_wait3A_165] : memref<10112x32xf32, #tpu.memory_space<hbm>> -> memref<128x32xf32, #tpu.memory_space<hbm>>
      %dma_wait3A_167 = arith.constant 0 : i32
      %dma_wait3A_168 = arith.constant 0 : i32
      %dma_wait3A_169 = tpu.memref_slice %arg2[%dma_wait3A_167, %dma_wait3A_168] : memref<10112x32xf32, #tpu.memory_space<hbm>> -> memref<128x32xf32, #tpu.memory_space<hbm>>
      tpu.wait_dma2 semaphore(%arg23 : memref<!tpu.dma_semaphore, #tpu.memory_space<semaphore_mem>>) src(%dma_wait3A_169 : memref<128x32xf32, #tpu.memory_space<hbm>>) dst(%arg15 : memref<128x32xf32, #tpu.memory_space<vmem>>)
      %add3A_170 = arith.constant 6 : i32
      %add3A_171 = arith.addi %mul3A_80, %add3A_170 : i32
      %dma_start3A_172 = arith.constant 0 : i32
      %dma_start3A_173 = tpu.memref_slice %arg8[%add3A_171, %dma_start3A_172] : memref<80x128xi32, #tpu.memory_space<vmem>> -> memref<1x128xi32, #tpu.memory_space<vmem>>
      %dma_start3A_174 = tpu.memref_squeeze %dma_start3A_173 : memref<1x128xi32, #tpu.memory_space<vmem>> -> memref<128xi32, #tpu.memory_space<vmem>>
      %dma_start3A_175 = arith.constant 0 : i32
      %dma_start3A_176 = arith.constant 0 : i32
      %dma_start3A_177 = tpu.memref_slice %arg33[%dma_start3A_175, %dma_start3A_176] : memref<10112x32xf32, #tpu.memory_space<vmem_shared>> -> memref<10112x32xf32, #tpu.memory_space<vmem_shared>>
      tpu.enqueue_indirect_dma source(%arg15 : memref<128x32xf32, #tpu.memory_space<vmem>>) target(%dma_start3A_177 : memref<10112x32xf32, #tpu.memory_space<vmem_shared>>) offsets(%dma_start3A_174 : memref<128xi32, #tpu.memory_space<vmem>>) semaphore(%arg31 : memref<!tpu.dma_semaphore, #tpu.memory_space<semaphore_mem>>) {add = true}
      %dma_wait3A_178 = arith.constant 0 : i32
      %dma_wait3A_179 = arith.constant 0 : i32
      %dma_wait3A_180 = tpu.memref_slice %arg2[%dma_wait3A_178, %dma_wait3A_179] : memref<10112x32xf32, #tpu.memory_space<hbm>> -> memref<128x32xf32, #tpu.memory_space<hbm>>
      %dma_wait3A_181 = arith.constant 0 : i32
      %dma_wait3A_182 = arith.constant 0 : i32
      %dma_wait3A_183 = tpu.memref_slice %arg2[%dma_wait3A_181, %dma_wait3A_182] : memref<10112x32xf32, #tpu.memory_space<hbm>> -> memref<128x32xf32, #tpu.memory_space<hbm>>
      tpu.wait_dma2 semaphore(%arg24 : memref<!tpu.dma_semaphore, #tpu.memory_space<semaphore_mem>>) src(%dma_wait3A_183 : memref<128x32xf32, #tpu.memory_space<hbm>>) dst(%arg16 : memref<128x32xf32, #tpu.memory_space<vmem>>)
      %add3A_184 = arith.constant 7 : i32
      %add3A_185 = arith.addi %mul3A_80, %add3A_184 : i32
      %dma_start3A_186 = arith.constant 0 : i32
      %dma_start3A_187 = tpu.memref_slice %arg8[%add3A_185, %dma_start3A_186] : memref<80x128xi32, #tpu.memory_space<vmem>> -> memref<1x128xi32, #tpu.memory_space<vmem>>
      %dma_start3A_188 = tpu.memref_squeeze %dma_start3A_187 : memref<1x128xi32, #tpu.memory_space<vmem>> -> memref<128xi32, #tpu.memory_space<vmem>>
      %dma_start3A_189 = arith.constant 0 : i32
      %dma_start3A_190 = arith.constant 0 : i32
      %dma_start3A_191 = tpu.memref_slice %arg33[%dma_start3A_189, %dma_start3A_190] : memref<10112x32xf32, #tpu.memory_space<vmem_shared>> -> memref<10112x32xf32, #tpu.memory_space<vmem_shared>>
      tpu.enqueue_indirect_dma source(%arg16 : memref<128x32xf32, #tpu.memory_space<vmem>>) target(%dma_start3A_191 : memref<10112x32xf32, #tpu.memory_space<vmem_shared>>) offsets(%dma_start3A_188 : memref<128xi32, #tpu.memory_space<vmem>>) semaphore(%arg32 : memref<!tpu.dma_semaphore, #tpu.memory_space<semaphore_mem>>) {add = true}
      %dma_wait3A_192 = arith.constant 0 : i32
      %dma_wait3A_193 = tpu.memref_slice %arg8[%add3A_87, %dma_wait3A_192] : memref<80x128xi32, #tpu.memory_space<vmem>> -> memref<1x128xi32, #tpu.memory_space<vmem>>
      %dma_wait3A_194 = tpu.memref_squeeze %dma_wait3A_193 : memref<1x128xi32, #tpu.memory_space<vmem>> -> memref<128xi32, #tpu.memory_space<vmem>>
      %dma_wait3A_195 = arith.constant 0 : i32
      %dma_wait3A_196 = arith.constant 0 : i32
      %dma_wait3A_197 = tpu.memref_slice %arg33[%dma_wait3A_195, %dma_wait3A_196] : memref<10112x32xf32, #tpu.memory_space<vmem_shared>> -> memref<10112x32xf32, #tpu.memory_space<vmem_shared>>
      tpu.wait_indirect_dma semaphore(%arg25 : memref<!tpu.dma_semaphore, #tpu.memory_space<semaphore_mem>>) src(%arg9 : memref<128x32xf32, #tpu.memory_space<vmem>>) dst(%dma_wait3A_197 : memref<10112x32xf32, #tpu.memory_space<vmem_shared>>)
      %lt3A = arith.constant 9 : i32
      %lt3A_198 = arith.cmpi slt, %scan3A_78, %lt3A : i32
      %convert_element_type3A = arith.extui %lt3A_198 : i1 to i32
      %cond3A = arith.constant 0 : i32
      %cond3A_199 = arith.cmpi ne, %convert_element_type3A, %cond3A : i32
      scf.if %cond3A_199 {
        %add3A_277 = arith.constant 8 : i32
        %add3A_278 = arith.addi %mul3A_80, %add3A_277 : i32
        %add3A_279 = arith.constant 0 : i32
        %add3A_280 = arith.addi %add3A_278, %add3A_279 : i32
        %dma_start3A_281 = arith.constant 0 : i32
        %dma_start3A_282 = tpu.memref_slice %arg7[%add3A_280, %dma_start3A_281] : memref<80x128xi32, #tpu.memory_space<vmem>> -> memref<1x128xi32, #tpu.memory_space<vmem>>
        %dma_start3A_283 = tpu.memref_squeeze %dma_start3A_282 : memref<1x128xi32, #tpu.memory_space<vmem>> -> memref<128xi32, #tpu.memory_space<vmem>>
        %dma_start3A_284 = arith.constant 0 : i32
        %dma_start3A_285 = arith.constant 0 : i32
        %dma_start3A_286 = tpu.memref_slice %arg34[%dma_start3A_284, %dma_start3A_285] : memref<10112x32xf32, #tpu.memory_space<vmem_shared>> -> memref<10112x32xf32, #tpu.memory_space<vmem_shared>>
        tpu.enqueue_indirect_dma source(%dma_start3A_286 : memref<10112x32xf32, #tpu.memory_space<vmem_shared>>) target(%arg9 : memref<128x32xf32, #tpu.memory_space<vmem>>) offsets(%dma_start3A_283 : memref<128xi32, #tpu.memory_space<vmem>>) semaphore(%arg17 : memref<!tpu.dma_semaphore, #tpu.memory_space<semaphore_mem>>)
      } else {
      }
      %dma_wait3A_200 = arith.constant 0 : i32
      %dma_wait3A_201 = tpu.memref_slice %arg8[%add3A_101, %dma_wait3A_200] : memref<80x128xi32, #tpu.memory_space<vmem>> -> memref<1x128xi32, #tpu.memory_space<vmem>>
      %dma_wait3A_202 = tpu.memref_squeeze %dma_wait3A_201 : memref<1x128xi32, #tpu.memory_space<vmem>> -> memref<128xi32, #tpu.memory_space<vmem>>
      %dma_wait3A_203 = arith.constant 0 : i32
      %dma_wait3A_204 = arith.constant 0 : i32
      %dma_wait3A_205 = tpu.memref_slice %arg33[%dma_wait3A_203, %dma_wait3A_204] : memref<10112x32xf32, #tpu.memory_space<vmem_shared>> -> memref<10112x32xf32, #tpu.memory_space<vmem_shared>>
      tpu.wait_indirect_dma semaphore(%arg26 : memref<!tpu.dma_semaphore, #tpu.memory_space<semaphore_mem>>) src(%arg10 : memref<128x32xf32, #tpu.memory_space<vmem>>) dst(%dma_wait3A_205 : memref<10112x32xf32, #tpu.memory_space<vmem_shared>>)
      %lt3A_206 = arith.constant 9 : i32
      %lt3A_207 = arith.cmpi slt, %scan3A_78, %lt3A_206 : i32
      %convert_element_type3A_208 = arith.extui %lt3A_207 : i1 to i32
      %cond3A_209 = arith.constant 0 : i32
      %cond3A_210 = arith.cmpi ne, %convert_element_type3A_208, %cond3A_209 : i32
      scf.if %cond3A_210 {
        %add3A_277 = arith.constant 8 : i32
        %add3A_278 = arith.addi %mul3A_80, %add3A_277 : i32
        %add3A_279 = arith.constant 1 : i32
        %add3A_280 = arith.addi %add3A_278, %add3A_279 : i32
        %dma_start3A_281 = arith.constant 0 : i32
        %dma_start3A_282 = tpu.memref_slice %arg7[%add3A_280, %dma_start3A_281] : memref<80x128xi32, #tpu.memory_space<vmem>> -> memref<1x128xi32, #tpu.memory_space<vmem>>
        %dma_start3A_283 = tpu.memref_squeeze %dma_start3A_282 : memref<1x128xi32, #tpu.memory_space<vmem>> -> memref<128xi32, #tpu.memory_space<vmem>>
        %dma_start3A_284 = arith.constant 0 : i32
        %dma_start3A_285 = arith.constant 0 : i32
        %dma_start3A_286 = tpu.memref_slice %arg34[%dma_start3A_284, %dma_start3A_285] : memref<10112x32xf32, #tpu.memory_space<vmem_shared>> -> memref<10112x32xf32, #tpu.memory_space<vmem_shared>>
        tpu.enqueue_indirect_dma source(%dma_start3A_286 : memref<10112x32xf32, #tpu.memory_space<vmem_shared>>) target(%arg10 : memref<128x32xf32, #tpu.memory_space<vmem>>) offsets(%dma_start3A_283 : memref<128xi32, #tpu.memory_space<vmem>>) semaphore(%arg18 : memref<!tpu.dma_semaphore, #tpu.memory_space<semaphore_mem>>)
      } else {
      }
      %dma_wait3A_211 = arith.constant 0 : i32
      %dma_wait3A_212 = tpu.memref_slice %arg8[%add3A_115, %dma_wait3A_211] : memref<80x128xi32, #tpu.memory_space<vmem>> -> memref<1x128xi32, #tpu.memory_space<vmem>>
      %dma_wait3A_213 = tpu.memref_squeeze %dma_wait3A_212 : memref<1x128xi32, #tpu.memory_space<vmem>> -> memref<128xi32, #tpu.memory_space<vmem>>
      %dma_wait3A_214 = arith.constant 0 : i32
      %dma_wait3A_215 = arith.constant 0 : i32
      %dma_wait3A_216 = tpu.memref_slice %arg33[%dma_wait3A_214, %dma_wait3A_215] : memref<10112x32xf32, #tpu.memory_space<vmem_shared>> -> memref<10112x32xf32, #tpu.memory_space<vmem_shared>>
      tpu.wait_indirect_dma semaphore(%arg27 : memref<!tpu.dma_semaphore, #tpu.memory_space<semaphore_mem>>) src(%arg11 : memref<128x32xf32, #tpu.memory_space<vmem>>) dst(%dma_wait3A_216 : memref<10112x32xf32, #tpu.memory_space<vmem_shared>>)
      %lt3A_217 = arith.constant 9 : i32
      %lt3A_218 = arith.cmpi slt, %scan3A_78, %lt3A_217 : i32
      %convert_element_type3A_219 = arith.extui %lt3A_218 : i1 to i32
      %cond3A_220 = arith.constant 0 : i32
      %cond3A_221 = arith.cmpi ne, %convert_element_type3A_219, %cond3A_220 : i32
      scf.if %cond3A_221 {
        %add3A_277 = arith.constant 8 : i32
        %add3A_278 = arith.addi %mul3A_80, %add3A_277 : i32
        %add3A_279 = arith.constant 2 : i32
        %add3A_280 = arith.addi %add3A_278, %add3A_279 : i32
        %dma_start3A_281 = arith.constant 0 : i32
        %dma_start3A_282 = tpu.memref_slice %arg7[%add3A_280, %dma_start3A_281] : memref<80x128xi32, #tpu.memory_space<vmem>> -> memref<1x128xi32, #tpu.memory_space<vmem>>
        %dma_start3A_283 = tpu.memref_squeeze %dma_start3A_282 : memref<1x128xi32, #tpu.memory_space<vmem>> -> memref<128xi32, #tpu.memory_space<vmem>>
        %dma_start3A_284 = arith.constant 0 : i32
        %dma_start3A_285 = arith.constant 0 : i32
        %dma_start3A_286 = tpu.memref_slice %arg34[%dma_start3A_284, %dma_start3A_285] : memref<10112x32xf32, #tpu.memory_space<vmem_shared>> -> memref<10112x32xf32, #tpu.memory_space<vmem_shared>>
        tpu.enqueue_indirect_dma source(%dma_start3A_286 : memref<10112x32xf32, #tpu.memory_space<vmem_shared>>) target(%arg11 : memref<128x32xf32, #tpu.memory_space<vmem>>) offsets(%dma_start3A_283 : memref<128xi32, #tpu.memory_space<vmem>>) semaphore(%arg19 : memref<!tpu.dma_semaphore, #tpu.memory_space<semaphore_mem>>)
      } else {
      }
      %dma_wait3A_222 = arith.constant 0 : i32
      %dma_wait3A_223 = tpu.memref_slice %arg8[%add3A_129, %dma_wait3A_222] : memref<80x128xi32, #tpu.memory_space<vmem>> -> memref<1x128xi32, #tpu.memory_space<vmem>>
      %dma_wait3A_224 = tpu.memref_squeeze %dma_wait3A_223 : memref<1x128xi32, #tpu.memory_space<vmem>> -> memref<128xi32, #tpu.memory_space<vmem>>
      %dma_wait3A_225 = arith.constant 0 : i32
      %dma_wait3A_226 = arith.constant 0 : i32
      %dma_wait3A_227 = tpu.memref_slice %arg33[%dma_wait3A_225, %dma_wait3A_226] : memref<10112x32xf32, #tpu.memory_space<vmem_shared>> -> memref<10112x32xf32, #tpu.memory_space<vmem_shared>>
      tpu.wait_indirect_dma semaphore(%arg28 : memref<!tpu.dma_semaphore, #tpu.memory_space<semaphore_mem>>) src(%arg12 : memref<128x32xf32, #tpu.memory_space<vmem>>) dst(%dma_wait3A_227 : memref<10112x32xf32, #tpu.memory_space<vmem_shared>>)
      %lt3A_228 = arith.constant 9 : i32
      %lt3A_229 = arith.cmpi slt, %scan3A_78, %lt3A_228 : i32
      %convert_element_type3A_230 = arith.extui %lt3A_229 : i1 to i32
      %cond3A_231 = arith.constant 0 : i32
      %cond3A_232 = arith.cmpi ne, %convert_element_type3A_230, %cond3A_231 : i32
      scf.if %cond3A_232 {
        %add3A_277 = arith.constant 8 : i32
        %add3A_278 = arith.addi %mul3A_80, %add3A_277 : i32
        %add3A_279 = arith.constant 3 : i32
        %add3A_280 = arith.addi %add3A_278, %add3A_279 : i32
        %dma_start3A_281 = arith.constant 0 : i32
        %dma_start3A_282 = tpu.memref_slice %arg7[%add3A_280, %dma_start3A_281] : memref<80x128xi32, #tpu.memory_space<vmem>> -> memref<1x128xi32, #tpu.memory_space<vmem>>
        %dma_start3A_283 = tpu.memref_squeeze %dma_start3A_282 : memref<1x128xi32, #tpu.memory_space<vmem>> -> memref<128xi32, #tpu.memory_space<vmem>>
        %dma_start3A_284 = arith.constant 0 : i32
        %dma_start3A_285 = arith.constant 0 : i32
        %dma_start3A_286 = tpu.memref_slice %arg34[%dma_start3A_284, %dma_start3A_285] : memref<10112x32xf32, #tpu.memory_space<vmem_shared>> -> memref<10112x32xf32, #tpu.memory_space<vmem_shared>>
        tpu.enqueue_indirect_dma source(%dma_start3A_286 : memref<10112x32xf32, #tpu.memory_space<vmem_shared>>) target(%arg12 : memref<128x32xf32, #tpu.memory_space<vmem>>) offsets(%dma_start3A_283 : memref<128xi32, #tpu.memory_space<vmem>>) semaphore(%arg20 : memref<!tpu.dma_semaphore, #tpu.memory_space<semaphore_mem>>)
      } else {
      }
      %dma_wait3A_233 = arith.constant 0 : i32
      %dma_wait3A_234 = tpu.memref_slice %arg8[%add3A_143, %dma_wait3A_233] : memref<80x128xi32, #tpu.memory_space<vmem>> -> memref<1x128xi32, #tpu.memory_space<vmem>>
      %dma_wait3A_235 = tpu.memref_squeeze %dma_wait3A_234 : memref<1x128xi32, #tpu.memory_space<vmem>> -> memref<128xi32, #tpu.memory_space<vmem>>
      %dma_wait3A_236 = arith.constant 0 : i32
      %dma_wait3A_237 = arith.constant 0 : i32
      %dma_wait3A_238 = tpu.memref_slice %arg33[%dma_wait3A_236, %dma_wait3A_237] : memref<10112x32xf32, #tpu.memory_space<vmem_shared>> -> memref<10112x32xf32, #tpu.memory_space<vmem_shared>>
      tpu.wait_indirect_dma semaphore(%arg29 : memref<!tpu.dma_semaphore, #tpu.memory_space<semaphore_mem>>) src(%arg13 : memref<128x32xf32, #tpu.memory_space<vmem>>) dst(%dma_wait3A_238 : memref<10112x32xf32, #tpu.memory_space<vmem_shared>>)
      %lt3A_239 = arith.constant 9 : i32
      %lt3A_240 = arith.cmpi slt, %scan3A_78, %lt3A_239 : i32
      %convert_element_type3A_241 = arith.extui %lt3A_240 : i1 to i32
      %cond3A_242 = arith.constant 0 : i32
      %cond3A_243 = arith.cmpi ne, %convert_element_type3A_241, %cond3A_242 : i32
      scf.if %cond3A_243 {
        %add3A_277 = arith.constant 8 : i32
        %add3A_278 = arith.addi %mul3A_80, %add3A_277 : i32
        %add3A_279 = arith.constant 4 : i32
        %add3A_280 = arith.addi %add3A_278, %add3A_279 : i32
        %dma_start3A_281 = arith.constant 0 : i32
        %dma_start3A_282 = tpu.memref_slice %arg7[%add3A_280, %dma_start3A_281] : memref<80x128xi32, #tpu.memory_space<vmem>> -> memref<1x128xi32, #tpu.memory_space<vmem>>
        %dma_start3A_283 = tpu.memref_squeeze %dma_start3A_282 : memref<1x128xi32, #tpu.memory_space<vmem>> -> memref<128xi32, #tpu.memory_space<vmem>>
        %dma_start3A_284 = arith.constant 0 : i32
        %dma_start3A_285 = arith.constant 0 : i32
        %dma_start3A_286 = tpu.memref_slice %arg34[%dma_start3A_284, %dma_start3A_285] : memref<10112x32xf32, #tpu.memory_space<vmem_shared>> -> memref<10112x32xf32, #tpu.memory_space<vmem_shared>>
        tpu.enqueue_indirect_dma source(%dma_start3A_286 : memref<10112x32xf32, #tpu.memory_space<vmem_shared>>) target(%arg13 : memref<128x32xf32, #tpu.memory_space<vmem>>) offsets(%dma_start3A_283 : memref<128xi32, #tpu.memory_space<vmem>>) semaphore(%arg21 : memref<!tpu.dma_semaphore, #tpu.memory_space<semaphore_mem>>)
      } else {
      }
      %dma_wait3A_244 = arith.constant 0 : i32
      %dma_wait3A_245 = tpu.memref_slice %arg8[%add3A_157, %dma_wait3A_244] : memref<80x128xi32, #tpu.memory_space<vmem>> -> memref<1x128xi32, #tpu.memory_space<vmem>>
      %dma_wait3A_246 = tpu.memref_squeeze %dma_wait3A_245 : memref<1x128xi32, #tpu.memory_space<vmem>> -> memref<128xi32, #tpu.memory_space<vmem>>
      %dma_wait3A_247 = arith.constant 0 : i32
      %dma_wait3A_248 = arith.constant 0 : i32
      %dma_wait3A_249 = tpu.memref_slice %arg33[%dma_wait3A_247, %dma_wait3A_248] : memref<10112x32xf32, #tpu.memory_space<vmem_shared>> -> memref<10112x32xf32, #tpu.memory_space<vmem_shared>>
      tpu.wait_indirect_dma semaphore(%arg30 : memref<!tpu.dma_semaphore, #tpu.memory_space<semaphore_mem>>) src(%arg14 : memref<128x32xf32, #tpu.memory_space<vmem>>) dst(%dma_wait3A_249 : memref<10112x32xf32, #tpu.memory_space<vmem_shared>>)
      %lt3A_250 = arith.constant 9 : i32
      %lt3A_251 = arith.cmpi slt, %scan3A_78, %lt3A_250 : i32
      %convert_element_type3A_252 = arith.extui %lt3A_251 : i1 to i32
      %cond3A_253 = arith.constant 0 : i32
      %cond3A_254 = arith.cmpi ne, %convert_element_type3A_252, %cond3A_253 : i32
      scf.if %cond3A_254 {
        %add3A_277 = arith.constant 8 : i32
        %add3A_278 = arith.addi %mul3A_80, %add3A_277 : i32
        %add3A_279 = arith.constant 5 : i32
        %add3A_280 = arith.addi %add3A_278, %add3A_279 : i32
        %dma_start3A_281 = arith.constant 0 : i32
        %dma_start3A_282 = tpu.memref_slice %arg7[%add3A_280, %dma_start3A_281] : memref<80x128xi32, #tpu.memory_space<vmem>> -> memref<1x128xi32, #tpu.memory_space<vmem>>
        %dma_start3A_283 = tpu.memref_squeeze %dma_start3A_282 : memref<1x128xi32, #tpu.memory_space<vmem>> -> memref<128xi32, #tpu.memory_space<vmem>>
        %dma_start3A_284 = arith.constant 0 : i32
        %dma_start3A_285 = arith.constant 0 : i32
        %dma_start3A_286 = tpu.memref_slice %arg34[%dma_start3A_284, %dma_start3A_285] : memref<10112x32xf32, #tpu.memory_space<vmem_shared>> -> memref<10112x32xf32, #tpu.memory_space<vmem_shared>>
        tpu.enqueue_indirect_dma source(%dma_start3A_286 : memref<10112x32xf32, #tpu.memory_space<vmem_shared>>) target(%arg14 : memref<128x32xf32, #tpu.memory_space<vmem>>) offsets(%dma_start3A_283 : memref<128xi32, #tpu.memory_space<vmem>>) semaphore(%arg22 : memref<!tpu.dma_semaphore, #tpu.memory_space<semaphore_mem>>)
      } else {
      }
      %dma_wait3A_255 = arith.constant 0 : i32
      %dma_wait3A_256 = tpu.memref_slice %arg8[%add3A_171, %dma_wait3A_255] : memref<80x128xi32, #tpu.memory_space<vmem>> -> memref<1x128xi32, #tpu.memory_space<vmem>>
      %dma_wait3A_257 = tpu.memref_squeeze %dma_wait3A_256 : memref<1x128xi32, #tpu.memory_space<vmem>> -> memref<128xi32, #tpu.memory_space<vmem>>
      %dma_wait3A_258 = arith.constant 0 : i32
      %dma_wait3A_259 = arith.constant 0 : i32
      %dma_wait3A_260 = tpu.memref_slice %arg33[%dma_wait3A_258, %dma_wait3A_259] : memref<10112x32xf32, #tpu.memory_space<vmem_shared>> -> memref<10112x32xf32, #tpu.memory_space<vmem_shared>>
      tpu.wait_indirect_dma semaphore(%arg31 : memref<!tpu.dma_semaphore, #tpu.memory_space<semaphore_mem>>) src(%arg15 : memref<128x32xf32, #tpu.memory_space<vmem>>) dst(%dma_wait3A_260 : memref<10112x32xf32, #tpu.memory_space<vmem_shared>>)
      %lt3A_261 = arith.constant 9 : i32
      %lt3A_262 = arith.cmpi slt, %scan3A_78, %lt3A_261 : i32
      %convert_element_type3A_263 = arith.extui %lt3A_262 : i1 to i32
      %cond3A_264 = arith.constant 0 : i32
      %cond3A_265 = arith.cmpi ne, %convert_element_type3A_263, %cond3A_264 : i32
      scf.if %cond3A_265 {
        %add3A_277 = arith.constant 8 : i32
        %add3A_278 = arith.addi %mul3A_80, %add3A_277 : i32
        %add3A_279 = arith.constant 6 : i32
        %add3A_280 = arith.addi %add3A_278, %add3A_279 : i32
        %dma_start3A_281 = arith.constant 0 : i32
        %dma_start3A_282 = tpu.memref_slice %arg7[%add3A_280, %dma_start3A_281] : memref<80x128xi32, #tpu.memory_space<vmem>> -> memref<1x128xi32, #tpu.memory_space<vmem>>
        %dma_start3A_283 = tpu.memref_squeeze %dma_start3A_282 : memref<1x128xi32, #tpu.memory_space<vmem>> -> memref<128xi32, #tpu.memory_space<vmem>>
        %dma_start3A_284 = arith.constant 0 : i32
        %dma_start3A_285 = arith.constant 0 : i32
        %dma_start3A_286 = tpu.memref_slice %arg34[%dma_start3A_284, %dma_start3A_285] : memref<10112x32xf32, #tpu.memory_space<vmem_shared>> -> memref<10112x32xf32, #tpu.memory_space<vmem_shared>>
        tpu.enqueue_indirect_dma source(%dma_start3A_286 : memref<10112x32xf32, #tpu.memory_space<vmem_shared>>) target(%arg15 : memref<128x32xf32, #tpu.memory_space<vmem>>) offsets(%dma_start3A_283 : memref<128xi32, #tpu.memory_space<vmem>>) semaphore(%arg23 : memref<!tpu.dma_semaphore, #tpu.memory_space<semaphore_mem>>)
      } else {
      }
      %dma_wait3A_266 = arith.constant 0 : i32
      %dma_wait3A_267 = tpu.memref_slice %arg8[%add3A_185, %dma_wait3A_266] : memref<80x128xi32, #tpu.memory_space<vmem>> -> memref<1x128xi32, #tpu.memory_space<vmem>>
      %dma_wait3A_268 = tpu.memref_squeeze %dma_wait3A_267 : memref<1x128xi32, #tpu.memory_space<vmem>> -> memref<128xi32, #tpu.memory_space<vmem>>
      %dma_wait3A_269 = arith.constant 0 : i32
      %dma_wait3A_270 = arith.constant 0 : i32
      %dma_wait3A_271 = tpu.memref_slice %arg33[%dma_wait3A_269, %dma_wait3A_270] : memref<10112x32xf32, #tpu.memory_space<vmem_shared>> -> memref<10112x32xf32, #tpu.memory_space<vmem_shared>>
      tpu.wait_indirect_dma semaphore(%arg32 : memref<!tpu.dma_semaphore, #tpu.memory_space<semaphore_mem>>) src(%arg16 : memref<128x32xf32, #tpu.memory_space<vmem>>) dst(%dma_wait3A_271 : memref<10112x32xf32, #tpu.memory_space<vmem_shared>>)
      %lt3A_272 = arith.constant 9 : i32
      %lt3A_273 = arith.cmpi slt, %scan3A_78, %lt3A_272 : i32
      %convert_element_type3A_274 = arith.extui %lt3A_273 : i1 to i32
      %cond3A_275 = arith.constant 0 : i32
      %cond3A_276 = arith.cmpi ne, %convert_element_type3A_274, %cond3A_275 : i32
      scf.if %cond3A_276 {
        %add3A_277 = arith.constant 8 : i32
        %add3A_278 = arith.addi %mul3A_80, %add3A_277 : i32
        %add3A_279 = arith.constant 7 : i32
        %add3A_280 = arith.addi %add3A_278, %add3A_279 : i32
        %dma_start3A_281 = arith.constant 0 : i32
        %dma_start3A_282 = tpu.memref_slice %arg7[%add3A_280, %dma_start3A_281] : memref<80x128xi32, #tpu.memory_space<vmem>> -> memref<1x128xi32, #tpu.memory_space<vmem>>
        %dma_start3A_283 = tpu.memref_squeeze %dma_start3A_282 : memref<1x128xi32, #tpu.memory_space<vmem>> -> memref<128xi32, #tpu.memory_space<vmem>>
        %dma_start3A_284 = arith.constant 0 : i32
        %dma_start3A_285 = arith.constant 0 : i32
        %dma_start3A_286 = tpu.memref_slice %arg34[%dma_start3A_284, %dma_start3A_285] : memref<10112x32xf32, #tpu.memory_space<vmem_shared>> -> memref<10112x32xf32, #tpu.memory_space<vmem_shared>>
        tpu.enqueue_indirect_dma source(%dma_start3A_286 : memref<10112x32xf32, #tpu.memory_space<vmem_shared>>) target(%arg16 : memref<128x32xf32, #tpu.memory_space<vmem>>) offsets(%dma_start3A_283 : memref<128xi32, #tpu.memory_space<vmem>>) semaphore(%arg24 : memref<!tpu.dma_semaphore, #tpu.memory_space<semaphore_mem>>)
      } else {
      }
    }
    %scan3A_72 = arith.constant 10 : i32
    %barrier3A_73 = arith.constant 0 : index
    tpu.barrier barrier_id(%barrier3A_73)
    %mul3A_74 = arith.constant 632 : i32
    %mul3A_75 = arith.muli %arg1, %mul3A_74 : i32
    %mul3A_76 = arith.constant 632 : i32
    %mul3A_77 = arith.muli %arg1, %mul3A_76 : i32
    "tpu.region"() ({
      %run_scoped3A = tpu.sem_alloc : memref<!tpu.dma_semaphore, #tpu.memory_space<semaphore_mem>>
      %dma_start3A_78 = arith.constant 0 : i32
      %dma_start3A_79 = tpu.memref_slice %arg6[%arg0, %mul3A_77, %dma_start3A_78] : memref<2x10112x32xf32, #tpu.memory_space<hbm>> -> memref<1x632x32xf32, #tpu.memory_space<hbm>>
      %dma_start3A_80 = tpu.memref_squeeze %dma_start3A_79 : memref<1x632x32xf32, #tpu.memory_space<hbm>> -> memref<632x32xf32, #tpu.memory_space<hbm>>
      %dma_start3A_81 = arith.constant 0 : i32
      %dma_start3A_82 = tpu.memref_slice %arg33[%mul3A_75, %dma_start3A_81] : memref<10112x32xf32, #tpu.memory_space<vmem_shared>> -> memref<632x32xf32, #tpu.memory_space<vmem_shared>>
      tpu.enqueue_dma source(%dma_start3A_82 : memref<632x32xf32, #tpu.memory_space<vmem_shared>>) target(%dma_start3A_80 : memref<632x32xf32, #tpu.memory_space<hbm>>) target_semaphore(%run_scoped3A : memref<!tpu.dma_semaphore, #tpu.memory_space<semaphore_mem>>)
      %dma_wait3A = arith.constant 0 : i32
      %dma_wait3A_83 = tpu.memref_slice %arg6[%arg0, %mul3A_77, %dma_wait3A] : memref<2x10112x32xf32, #tpu.memory_space<hbm>> -> memref<1x632x32xf32, #tpu.memory_space<hbm>>
      %dma_wait3A_84 = tpu.memref_squeeze %dma_wait3A_83 : memref<1x632x32xf32, #tpu.memory_space<hbm>> -> memref<632x32xf32, #tpu.memory_space<hbm>>
      %dma_wait3A_85 = arith.constant 0 : i32
      %dma_wait3A_86 = tpu.memref_slice %arg33[%mul3A_75, %dma_wait3A_85] : memref<10112x32xf32, #tpu.memory_space<vmem_shared>> -> memref<632x32xf32, #tpu.memory_space<vmem_shared>>
      tpu.wait_dma2 semaphore(%run_scoped3A : memref<!tpu.dma_semaphore, #tpu.memory_space<semaphore_mem>>) src(%dma_wait3A_86 : memref<632x32xf32, #tpu.memory_space<vmem_shared>>) dst(%dma_wait3A_84 : memref<632x32xf32, #tpu.memory_space<hbm>>)
      tpu.yield
    }) : () -> ()
    return
  }
}

#map = affine_map<(d0, d1) -> (0, 0)>
#map1 = affine_map<(d0, d1) -> (0, 0, 0)>
module attributes {stable_mosaic.version = 14 : i64} {
  func.func @body(%arg0: i32, %arg1: i32, %arg2: memref<10112x32xf32, #tpu.memory_space<hbm>>, %arg3: memref<2560x128xi32, #tpu.memory_space<hbm>>, %arg4: memref<2560x128xi32, #tpu.memory_space<hbm>>, %arg5: memref<10112x32xf32, #tpu.memory_space<hbm>>, %arg6: memref<2x10112x32xf32, #tpu.memory_space<hbm>>, %arg7: memref<80x128xi32, #tpu.memory_space<vmem>>, %arg8: memref<80x128xi32, #tpu.memory_space<vmem>>, %arg9: memref<128x32xf32, #tpu.memory_space<vmem>>, %arg10: memref<128x32xf32, #tpu.memory_space<vmem>>, %arg11: memref<128x32xf32, #tpu.memory_space<vmem>>, %arg12: memref<128x32xf32, #tpu.memory_space<vmem>>, %arg13: memref<128x32xf32, #tpu.memory_space<vmem>>, %arg14: memref<128x32xf32, #tpu.memory_space<vmem>>, %arg15: memref<128x32xf32, #tpu.memory_space<vmem>>, %arg16: memref<128x32xf32, #tpu.memory_space<vmem>>, %arg17: memref<!tpu.dma_semaphore, #tpu.memory_space<semaphore_mem>>, %arg18: memref<!tpu.dma_semaphore, #tpu.memory_space<semaphore_mem>>, %arg19: memref<!tpu.dma_semaphore, #tpu.memory_space<semaphore_mem>>, %arg20: memref<!tpu.dma_semaphore, #tpu.memory_space<semaphore_mem>>, %arg21: memref<!tpu.dma_semaphore, #tpu.memory_space<semaphore_mem>>, %arg22: memref<!tpu.dma_semaphore, #tpu.memory_space<semaphore_mem>>, %arg23: memref<!tpu.dma_semaphore, #tpu.memory_space<semaphore_mem>>, %arg24: memref<!tpu.dma_semaphore, #tpu.memory_space<semaphore_mem>>, %arg25: memref<!tpu.dma_semaphore, #tpu.memory_space<semaphore_mem>>, %arg26: memref<!tpu.dma_semaphore, #tpu.memory_space<semaphore_mem>>, %arg27: memref<!tpu.dma_semaphore, #tpu.memory_space<semaphore_mem>>, %arg28: memref<!tpu.dma_semaphore, #tpu.memory_space<semaphore_mem>>, %arg29: memref<!tpu.dma_semaphore, #tpu.memory_space<semaphore_mem>>, %arg30: memref<!tpu.dma_semaphore, #tpu.memory_space<semaphore_mem>>, %arg31: memref<!tpu.dma_semaphore, #tpu.memory_space<semaphore_mem>>, %arg32: memref<!tpu.dma_semaphore, #tpu.memory_space<semaphore_mem>>, %arg33: memref<10112x32xf32, #tpu.memory_space<vmem_shared>>, %arg34: memref<10112x32xf32, #tpu.memory_space<vmem_shared>>) attributes {dimension_semantics = [#tpu.dimension_semantics<core_parallel>, #tpu.dimension_semantics<subcore_parallel>], iteration_bounds = array<i64: 2, 16>, scalar_prefetch = 0 : i64, scratch_operands = 28 : i64, tpu.core_type = #tpu.core_type<sc_vector_subcore>, window_params = [{transform_indices = #map}, {transform_indices = #map}, {transform_indices = #map}, {transform_indices = #map}, {transform_indices = #map1}]} {
    %mul3A = arith.constant 16 : i32
    %mul3A_0 = arith.muli %arg0, %mul3A : i32
    %add3A = arith.addi %mul3A_0, %arg1 : i32
    %mul3A_1 = arith.constant 80 : i32
    %mul3A_2 = arith.muli %add3A, %mul3A_1 : i32
    "tpu.region"() ({
      %run_scoped3A = tpu.sem_alloc : memref<!tpu.dma_semaphore, #tpu.memory_space<semaphore_mem>>
      %dma_start3A_78 = arith.constant 0 : i32
      %dma_start3A_79 = tpu.memref_slice %arg3[%mul3A_2, %dma_start3A_78] : memref<2560x128xi32, #tpu.memory_space<hbm>> -> memref<80x128xi32, #tpu.memory_space<hbm>>
      %dma_start3A_80 = arith.constant 0 : i32
      %dma_start3A_81 = tpu.memref_slice %arg3[%mul3A_2, %dma_start3A_80] : memref<2560x128xi32, #tpu.memory_space<hbm>> -> memref<80x128xi32, #tpu.memory_space<hbm>>
      tpu.enqueue_dma source(%dma_start3A_81 : memref<80x128xi32, #tpu.memory_space<hbm>>) target(%arg7 : memref<80x128xi32, #tpu.memory_space<vmem>>) target_semaphore(%run_scoped3A : memref<!tpu.dma_semaphore, #tpu.memory_space<semaphore_mem>>)
      %dma_wait3A = arith.constant 0 : i32
      %dma_wait3A_82 = tpu.memref_slice %arg3[%mul3A_2, %dma_wait3A] : memref<2560x128xi32, #tpu.memory_space<hbm>> -> memref<80x128xi32, #tpu.memory_space<hbm>>
      %dma_wait3A_83 = arith.constant 0 : i32
      %dma_wait3A_84 = tpu.memref_slice %arg3[%mul3A_2, %dma_wait3A_83] : memref<2560x128xi32, #tpu.memory_space<hbm>> -> memref<80x128xi32, #tpu.memory_space<hbm>>
      tpu.wait_dma2 semaphore(%run_scoped3A : memref<!tpu.dma_semaphore, #tpu.memory_space<semaphore_mem>>) src(%dma_wait3A_84 : memref<80x128xi32, #tpu.memory_space<hbm>>) dst(%arg7 : memref<80x128xi32, #tpu.memory_space<vmem>>)
      tpu.yield
    }) : () -> ()
    %mul3A_3 = arith.constant 80 : i32
    %mul3A_4 = arith.muli %add3A, %mul3A_3 : i32
    "tpu.region"() ({
      %run_scoped3A = tpu.sem_alloc : memref<!tpu.dma_semaphore, #tpu.memory_space<semaphore_mem>>
      %dma_start3A_78 = arith.constant 0 : i32
      %dma_start3A_79 = tpu.memref_slice %arg4[%mul3A_4, %dma_start3A_78] : memref<2560x128xi32, #tpu.memory_space<hbm>> -> memref<80x128xi32, #tpu.memory_space<hbm>>
      %dma_start3A_80 = arith.constant 0 : i32
      %dma_start3A_81 = tpu.memref_slice %arg4[%mul3A_4, %dma_start3A_80] : memref<2560x128xi32, #tpu.memory_space<hbm>> -> memref<80x128xi32, #tpu.memory_space<hbm>>
      tpu.enqueue_dma source(%dma_start3A_81 : memref<80x128xi32, #tpu.memory_space<hbm>>) target(%arg8 : memref<80x128xi32, #tpu.memory_space<vmem>>) target_semaphore(%run_scoped3A : memref<!tpu.dma_semaphore, #tpu.memory_space<semaphore_mem>>)
      %dma_wait3A = arith.constant 0 : i32
      %dma_wait3A_82 = tpu.memref_slice %arg4[%mul3A_4, %dma_wait3A] : memref<2560x128xi32, #tpu.memory_space<hbm>> -> memref<80x128xi32, #tpu.memory_space<hbm>>
      %dma_wait3A_83 = arith.constant 0 : i32
      %dma_wait3A_84 = tpu.memref_slice %arg4[%mul3A_4, %dma_wait3A_83] : memref<2560x128xi32, #tpu.memory_space<hbm>> -> memref<80x128xi32, #tpu.memory_space<hbm>>
      tpu.wait_dma2 semaphore(%run_scoped3A : memref<!tpu.dma_semaphore, #tpu.memory_space<semaphore_mem>>) src(%dma_wait3A_84 : memref<80x128xi32, #tpu.memory_space<hbm>>) dst(%arg8 : memref<80x128xi32, #tpu.memory_space<vmem>>)
      tpu.yield
    }) : () -> ()
    %mul3A_5 = arith.constant 632 : i32
    %mul3A_6 = arith.muli %arg1, %mul3A_5 : i32
    %mul3A_7 = arith.constant 632 : i32
    %mul3A_8 = arith.muli %arg1, %mul3A_7 : i32
    "tpu.region"() ({
      %run_scoped3A = tpu.sem_alloc : memref<!tpu.dma_semaphore, #tpu.memory_space<semaphore_mem>>
      %dma_start3A_78 = arith.constant 0 : i32
      %dma_start3A_79 = tpu.memref_slice %arg34[%mul3A_8, %dma_start3A_78] : memref<10112x32xf32, #tpu.memory_space<vmem_shared>> -> memref<632x32xf32, #tpu.memory_space<vmem_shared>>
      %dma_start3A_80 = arith.constant 0 : i32
      %dma_start3A_81 = tpu.memref_slice %arg2[%mul3A_6, %dma_start3A_80] : memref<10112x32xf32, #tpu.memory_space<hbm>> -> memref<632x32xf32, #tpu.memory_space<hbm>>
      tpu.enqueue_dma source(%dma_start3A_81 : memref<632x32xf32, #tpu.memory_space<hbm>>) target(%dma_start3A_79 : memref<632x32xf32, #tpu.memory_space<vmem_shared>>) target_semaphore(%run_scoped3A : memref<!tpu.dma_semaphore, #tpu.memory_space<semaphore_mem>>)
      %dma_wait3A = arith.constant 0 : i32
      %dma_wait3A_82 = tpu.memref_slice %arg34[%mul3A_8, %dma_wait3A] : memref<10112x32xf32, #tpu.memory_space<vmem_shared>> -> memref<632x32xf32, #tpu.memory_space<vmem_shared>>
      %dma_wait3A_83 = arith.constant 0 : i32
      %dma_wait3A_84 = tpu.memref_slice %arg2[%mul3A_6, %dma_wait3A_83] : memref<10112x32xf32, #tpu.memory_space<hbm>> -> memref<632x32xf32, #tpu.memory_space<hbm>>
      tpu.wait_dma2 semaphore(%run_scoped3A : memref<!tpu.dma_semaphore, #tpu.memory_space<semaphore_mem>>) src(%dma_wait3A_84 : memref<632x32xf32, #tpu.memory_space<hbm>>) dst(%dma_wait3A_82 : memref<632x32xf32, #tpu.memory_space<vmem_shared>>)
      tpu.yield
    }) : () -> ()
    %mul3A_9 = arith.constant 632 : i32
    %mul3A_10 = arith.muli %arg1, %mul3A_9 : i32
    %mul3A_11 = arith.constant 632 : i32
    %mul3A_12 = arith.muli %arg1, %mul3A_11 : i32
    "tpu.region"() ({
      %run_scoped3A = tpu.sem_alloc : memref<!tpu.dma_semaphore, #tpu.memory_space<semaphore_mem>>
      %dma_start3A_78 = arith.constant 0 : i32
      %dma_start3A_79 = tpu.memref_slice %arg33[%mul3A_12, %dma_start3A_78] : memref<10112x32xf32, #tpu.memory_space<vmem_shared>> -> memref<632x32xf32, #tpu.memory_space<vmem_shared>>
      %dma_start3A_80 = arith.constant 0 : i32
      %dma_start3A_81 = tpu.memref_slice %arg5[%mul3A_10, %dma_start3A_80] : memref<10112x32xf32, #tpu.memory_space<hbm>> -> memref<632x32xf32, #tpu.memory_space<hbm>>
      tpu.enqueue_dma source(%dma_start3A_81 : memref<632x32xf32, #tpu.memory_space<hbm>>) target(%dma_start3A_79 : memref<632x32xf32, #tpu.memory_space<vmem_shared>>) target_semaphore(%run_scoped3A : memref<!tpu.dma_semaphore, #tpu.memory_space<semaphore_mem>>)
      %dma_wait3A = arith.constant 0 : i32
      %dma_wait3A_82 = tpu.memref_slice %arg33[%mul3A_12, %dma_wait3A] : memref<10112x32xf32, #tpu.memory_space<vmem_shared>> -> memref<632x32xf32, #tpu.memory_space<vmem_shared>>
      %dma_wait3A_83 = arith.constant 0 : i32
      %dma_wait3A_84 = tpu.memref_slice %arg5[%mul3A_10, %dma_wait3A_83] : memref<10112x32xf32, #tpu.memory_space<hbm>> -> memref<632x32xf32, #tpu.memory_space<hbm>>
      tpu.wait_dma2 semaphore(%run_scoped3A : memref<!tpu.dma_semaphore, #tpu.memory_space<semaphore_mem>>) src(%dma_wait3A_84 : memref<632x32xf32, #tpu.memory_space<hbm>>) dst(%dma_wait3A_82 : memref<632x32xf32, #tpu.memory_space<vmem_shared>>)
      tpu.yield
    }) : () -> ()
    %barrier3A = arith.constant 0 : index
    tpu.barrier barrier_id(%barrier3A)
    %dma_start3A = arith.constant 0 : i32
    %dma_start3A_13 = arith.constant 0 : i32
    %dma_start3A_14 = tpu.memref_slice %arg7[%dma_start3A, %dma_start3A_13] : memref<80x128xi32, #tpu.memory_space<vmem>> -> memref<1x128xi32, #tpu.memory_space<vmem>>
    %dma_start3A_15 = tpu.memref_squeeze %dma_start3A_14 : memref<1x128xi32, #tpu.memory_space<vmem>> -> memref<128xi32, #tpu.memory_space<vmem>>
    %dma_start3A_16 = arith.constant 0 : i32
    %dma_start3A_17 = arith.constant 0 : i32
    %dma_start3A_18 = tpu.memref_slice %arg34[%dma_start3A_16, %dma_start3A_17] : memref<10112x32xf32, #tpu.memory_space<vmem_shared>> -> memref<10112x32xf32, #tpu.memory_space<vmem_shared>>
    tpu.enqueue_indirect_dma source(%dma_start3A_18 : memref<10112x32xf32, #tpu.memory_space<vmem_shared>>) target(%arg9 : memref<128x32xf32, #tpu.memory_space<vmem>>) offsets(%dma_start3A_15 : memref<128xi32, #tpu.memory_space<vmem>>) semaphore(%arg17 : memref<!tpu.dma_semaphore, #tpu.memory_space<semaphore_mem>>)
    %dma_start3A_19 = arith.constant 1 : i32
    %dma_start3A_20 = arith.constant 0 : i32
    %dma_start3A_21 = tpu.memref_slice %arg7[%dma_start3A_19, %dma_start3A_20] : memref<80x128xi32, #tpu.memory_space<vmem>> -> memref<1x128xi32, #tpu.memory_space<vmem>>
    %dma_start3A_22 = tpu.memref_squeeze %dma_start3A_21 : memref<1x128xi32, #tpu.memory_space<vmem>> -> memref<128xi32, #tpu.memory_space<vmem>>
    %dma_start3A_23 = arith.constant 0 : i32
    %dma_start3A_24 = arith.constant 0 : i32
    %dma_start3A_25 = tpu.memref_slice %arg34[%dma_start3A_23, %dma_start3A_24] : memref<10112x32xf32, #tpu.memory_space<vmem_shared>> -> memref<10112x32xf32, #tpu.memory_space<vmem_shared>>
    tpu.enqueue_indirect_dma source(%dma_start3A_25 : memref<10112x32xf32, #tpu.memory_space<vmem_shared>>) target(%arg10 : memref<128x32xf32, #tpu.memory_space<vmem>>) offsets(%dma_start3A_22 : memref<128xi32, #tpu.memory_space<vmem>>) semaphore(%arg18 : memref<!tpu.dma_semaphore, #tpu.memory_space<semaphore_mem>>)
    %dma_start3A_26 = arith.constant 2 : i32
    %dma_start3A_27 = arith.constant 0 : i32
    %dma_start3A_28 = tpu.memref_slice %arg7[%dma_start3A_26, %dma_start3A_27] : memref<80x128xi32, #tpu.memory_space<vmem>> -> memref<1x128xi32, #tpu.memory_space<vmem>>
    %dma_start3A_29 = tpu.memref_squeeze %dma_start3A_28 : memref<1x128xi32, #tpu.memory_space<vmem>> -> memref<128xi32, #tpu.memory_space<vmem>>
    %dma_start3A_30 = arith.constant 0 : i32
    %dma_start3A_31 = arith.constant 0 : i32
    %dma_start3A_32 = tpu.memref_slice %arg34[%dma_start3A_30, %dma_start3A_31] : memref<10112x32xf32, #tpu.memory_space<vmem_shared>> -> memref<10112x32xf32, #tpu.memory_space<vmem_shared>>
    tpu.enqueue_indirect_dma source(%dma_start3A_32 : memref<10112x32xf32, #tpu.memory_space<vmem_shared>>) target(%arg11 : memref<128x32xf32, #tpu.memory_space<vmem>>) offsets(%dma_start3A_29 : memref<128xi32, #tpu.memory_space<vmem>>) semaphore(%arg19 : memref<!tpu.dma_semaphore, #tpu.memory_space<semaphore_mem>>)
    %dma_start3A_33 = arith.constant 3 : i32
    %dma_start3A_34 = arith.constant 0 : i32
    %dma_start3A_35 = tpu.memref_slice %arg7[%dma_start3A_33, %dma_start3A_34] : memref<80x128xi32, #tpu.memory_space<vmem>> -> memref<1x128xi32, #tpu.memory_space<vmem>>
    %dma_start3A_36 = tpu.memref_squeeze %dma_start3A_35 : memref<1x128xi32, #tpu.memory_space<vmem>> -> memref<128xi32, #tpu.memory_space<vmem>>
    %dma_start3A_37 = arith.constant 0 : i32
    %dma_start3A_38 = arith.constant 0 : i32
    %dma_start3A_39 = tpu.memref_slice %arg34[%dma_start3A_37, %dma_start3A_38] : memref<10112x32xf32, #tpu.memory_space<vmem_shared>> -> memref<10112x32xf32, #tpu.memory_space<vmem_shared>>
    tpu.enqueue_indirect_dma source(%dma_start3A_39 : memref<10112x32xf32, #tpu.memory_space<vmem_shared>>) target(%arg12 : memref<128x32xf32, #tpu.memory_space<vmem>>) offsets(%dma_start3A_36 : memref<128xi32, #tpu.memory_space<vmem>>) semaphore(%arg20 : memref<!tpu.dma_semaphore, #tpu.memory_space<semaphore_mem>>)
    %dma_start3A_40 = arith.constant 4 : i32
    %dma_start3A_41 = arith.constant 0 : i32
    %dma_start3A_42 = tpu.memref_slice %arg7[%dma_start3A_40, %dma_start3A_41] : memref<80x128xi32, #tpu.memory_space<vmem>> -> memref<1x128xi32, #tpu.memory_space<vmem>>
    %dma_start3A_43 = tpu.memref_squeeze %dma_start3A_42 : memref<1x128xi32, #tpu.memory_space<vmem>> -> memref<128xi32, #tpu.memory_space<vmem>>
    %dma_start3A_44 = arith.constant 0 : i32
    %dma_start3A_45 = arith.constant 0 : i32
    %dma_start3A_46 = tpu.memref_slice %arg34[%dma_start3A_44, %dma_start3A_45] : memref<10112x32xf32, #tpu.memory_space<vmem_shared>> -> memref<10112x32xf32, #tpu.memory_space<vmem_shared>>
    tpu.enqueue_indirect_dma source(%dma_start3A_46 : memref<10112x32xf32, #tpu.memory_space<vmem_shared>>) target(%arg13 : memref<128x32xf32, #tpu.memory_space<vmem>>) offsets(%dma_start3A_43 : memref<128xi32, #tpu.memory_space<vmem>>) semaphore(%arg21 : memref<!tpu.dma_semaphore, #tpu.memory_space<semaphore_mem>>)
    %dma_start3A_47 = arith.constant 5 : i32
    %dma_start3A_48 = arith.constant 0 : i32
    %dma_start3A_49 = tpu.memref_slice %arg7[%dma_start3A_47, %dma_start3A_48] : memref<80x128xi32, #tpu.memory_space<vmem>> -> memref<1x128xi32, #tpu.memory_space<vmem>>
    %dma_start3A_50 = tpu.memref_squeeze %dma_start3A_49 : memref<1x128xi32, #tpu.memory_space<vmem>> -> memref<128xi32, #tpu.memory_space<vmem>>
    %dma_start3A_51 = arith.constant 0 : i32
    %dma_start3A_52 = arith.constant 0 : i32
    %dma_start3A_53 = tpu.memref_slice %arg34[%dma_start3A_51, %dma_start3A_52] : memref<10112x32xf32, #tpu.memory_space<vmem_shared>> -> memref<10112x32xf32, #tpu.memory_space<vmem_shared>>
    tpu.enqueue_indirect_dma source(%dma_start3A_53 : memref<10112x32xf32, #tpu.memory_space<vmem_shared>>) target(%arg14 : memref<128x32xf32, #tpu.memory_space<vmem>>) offsets(%dma_start3A_50 : memref<128xi32, #tpu.memory_space<vmem>>) semaphore(%arg22 : memref<!tpu.dma_semaphore, #tpu.memory_space<semaphore_mem>>)
    %dma_start3A_54 = arith.constant 6 : i32
    %dma_start3A_55 = arith.constant 0 : i32
    %dma_start3A_56 = tpu.memref_slice %arg7[%dma_start3A_54, %dma_start3A_55] : memref<80x128xi32, #tpu.memory_space<vmem>> -> memref<1x128xi32, #tpu.memory_space<vmem>>
    %dma_start3A_57 = tpu.memref_squeeze %dma_start3A_56 : memref<1x128xi32, #tpu.memory_space<vmem>> -> memref<128xi32, #tpu.memory_space<vmem>>
    %dma_start3A_58 = arith.constant 0 : i32
    %dma_start3A_59 = arith.constant 0 : i32
    %dma_start3A_60 = tpu.memref_slice %arg34[%dma_start3A_58, %dma_start3A_59] : memref<10112x32xf32, #tpu.memory_space<vmem_shared>> -> memref<10112x32xf32, #tpu.memory_space<vmem_shared>>
    tpu.enqueue_indirect_dma source(%dma_start3A_60 : memref<10112x32xf32, #tpu.memory_space<vmem_shared>>) target(%arg15 : memref<128x32xf32, #tpu.memory_space<vmem>>) offsets(%dma_start3A_57 : memref<128xi32, #tpu.memory_space<vmem>>) semaphore(%arg23 : memref<!tpu.dma_semaphore, #tpu.memory_space<semaphore_mem>>)
    %dma_start3A_61 = arith.constant 7 : i32
    %dma_start3A_62 = arith.constant 0 : i32
    %dma_start3A_63 = tpu.memref_slice %arg7[%dma_start3A_61, %dma_start3A_62] : memref<80x128xi32, #tpu.memory_space<vmem>> -> memref<1x128xi32, #tpu.memory_space<vmem>>
    %dma_start3A_64 = tpu.memref_squeeze %dma_start3A_63 : memref<1x128xi32, #tpu.memory_space<vmem>> -> memref<128xi32, #tpu.memory_space<vmem>>
    %dma_start3A_65 = arith.constant 0 : i32
    %dma_start3A_66 = arith.constant 0 : i32
    %dma_start3A_67 = tpu.memref_slice %arg34[%dma_start3A_65, %dma_start3A_66] : memref<10112x32xf32, #tpu.memory_space<vmem_shared>> -> memref<10112x32xf32, #tpu.memory_space<vmem_shared>>
    tpu.enqueue_indirect_dma source(%dma_start3A_67 : memref<10112x32xf32, #tpu.memory_space<vmem_shared>>) target(%arg16 : memref<128x32xf32, #tpu.memory_space<vmem>>) offsets(%dma_start3A_64 : memref<128xi32, #tpu.memory_space<vmem>>) semaphore(%arg24 : memref<!tpu.dma_semaphore, #tpu.memory_space<semaphore_mem>>)
    %scan3A = arith.constant 0 : i32
    %scan3A_68 = arith.constant 0 : i32
    %scan3A_69 = arith.constant 10 : i32
    %scan3A_70 = arith.addi %scan3A_68, %scan3A_69 : i32
    %scan3A_71 = arith.constant 1 : i32
    scf.for %scan3A_78 = %scan3A_68 to %scan3A_70 step %scan3A_71  : i32 {
      %mul3A_79 = arith.constant 8 : i32
      %mul3A_80 = arith.muli %scan3A_78, %mul3A_79 : i32
      %dma_wait3A = arith.constant 0 : i32
      %dma_wait3A_81 = arith.constant 0 : i32
      %dma_wait3A_82 = tpu.memref_slice %arg2[%dma_wait3A, %dma_wait3A_81] : memref<10112x32xf32, #tpu.memory_space<hbm>> -> memref<128x32xf32, #tpu.memory_space<hbm>>
      %dma_wait3A_83 = arith.constant 0 : i32
      %dma_wait3A_84 = arith.constant 0 : i32
      %dma_wait3A_85 = tpu.memref_slice %arg2[%dma_wait3A_83, %dma_wait3A_84] : memref<10112x32xf32, #tpu.memory_space<hbm>> -> memref<128x32xf32, #tpu.memory_space<hbm>>
      tpu.wait_dma2 semaphore(%arg17 : memref<!tpu.dma_semaphore, #tpu.memory_space<semaphore_mem>>) src(%dma_wait3A_85 : memref<128x32xf32, #tpu.memory_space<hbm>>) dst(%arg9 : memref<128x32xf32, #tpu.memory_space<vmem>>)
      %add3A_86 = arith.constant 0 : i32
      %add3A_87 = arith.addi %mul3A_80, %add3A_86 : i32
      %dma_start3A_88 = arith.constant 0 : i32
      %dma_start3A_89 = tpu.memref_slice %arg8[%add3A_87, %dma_start3A_88] : memref<80x128xi32, #tpu.memory_space<vmem>> -> memref<1x128xi32, #tpu.memory_space<vmem>>
      %dma_start3A_90 = tpu.memref_squeeze %dma_start3A_89 : memref<1x128xi32, #tpu.memory_space<vmem>> -> memref<128xi32, #tpu.memory_space<vmem>>
      %dma_start3A_91 = arith.constant 0 : i32
      %dma_start3A_92 = arith.constant 0 : i32
      %dma_start3A_93 = tpu.memref_slice %arg33[%dma_start3A_91, %dma_start3A_92] : memref<10112x32xf32, #tpu.memory_space<vmem_shared>> -> memref<10112x32xf32, #tpu.memory_space<vmem_shared>>
      tpu.enqueue_indirect_dma source(%arg9 : memref<128x32xf32, #tpu.memory_space<vmem>>) target(%dma_start3A_93 : memref<10112x32xf32, #tpu.memory_space<vmem_shared>>) offsets(%dma_start3A_90 : memref<128xi32, #tpu.memory_space<vmem>>) semaphore(%arg25 : memref<!tpu.dma_semaphore, #tpu.memory_space<semaphore_mem>>) {add = true}
      %dma_wait3A_94 = arith.constant 0 : i32
      %dma_wait3A_95 = arith.constant 0 : i32
      %dma_wait3A_96 = tpu.memref_slice %arg2[%dma_wait3A_94, %dma_wait3A_95] : memref<10112x32xf32, #tpu.memory_space<hbm>> -> memref<128x32xf32, #tpu.memory_space<hbm>>
      %dma_wait3A_97 = arith.constant 0 : i32
      %dma_wait3A_98 = arith.constant 0 : i32
      %dma_wait3A_99 = tpu.memref_slice %arg2[%dma_wait3A_97, %dma_wait3A_98] : memref<10112x32xf32, #tpu.memory_space<hbm>> -> memref<128x32xf32, #tpu.memory_space<hbm>>
      tpu.wait_dma2 semaphore(%arg18 : memref<!tpu.dma_semaphore, #tpu.memory_space<semaphore_mem>>) src(%dma_wait3A_99 : memref<128x32xf32, #tpu.memory_space<hbm>>) dst(%arg10 : memref<128x32xf32, #tpu.memory_space<vmem>>)
      %add3A_100 = arith.constant 1 : i32
      %add3A_101 = arith.addi %mul3A_80, %add3A_100 : i32
      %dma_start3A_102 = arith.constant 0 : i32
      %dma_start3A_103 = tpu.memref_slice %arg8[%add3A_101, %dma_start3A_102] : memref<80x128xi32, #tpu.memory_space<vmem>> -> memref<1x128xi32, #tpu.memory_space<vmem>>
      %dma_start3A_104 = tpu.memref_squeeze %dma_start3A_103 : memref<1x128xi32, #tpu.memory_space<vmem>> -> memref<128xi32, #tpu.memory_space<vmem>>
      %dma_start3A_105 = arith.constant 0 : i32
      %dma_start3A_106 = arith.constant 0 : i32
      %dma_start3A_107 = tpu.memref_slice %arg33[%dma_start3A_105, %dma_start3A_106] : memref<10112x32xf32, #tpu.memory_space<vmem_shared>> -> memref<10112x32xf32, #tpu.memory_space<vmem_shared>>
      tpu.enqueue_indirect_dma source(%arg10 : memref<128x32xf32, #tpu.memory_space<vmem>>) target(%dma_start3A_107 : memref<10112x32xf32, #tpu.memory_space<vmem_shared>>) offsets(%dma_start3A_104 : memref<128xi32, #tpu.memory_space<vmem>>) semaphore(%arg26 : memref<!tpu.dma_semaphore, #tpu.memory_space<semaphore_mem>>) {add = true}
      %dma_wait3A_108 = arith.constant 0 : i32
      %dma_wait3A_109 = arith.constant 0 : i32
      %dma_wait3A_110 = tpu.memref_slice %arg2[%dma_wait3A_108, %dma_wait3A_109] : memref<10112x32xf32, #tpu.memory_space<hbm>> -> memref<128x32xf32, #tpu.memory_space<hbm>>
      %dma_wait3A_111 = arith.constant 0 : i32
      %dma_wait3A_112 = arith.constant 0 : i32
      %dma_wait3A_113 = tpu.memref_slice %arg2[%dma_wait3A_111, %dma_wait3A_112] : memref<10112x32xf32, #tpu.memory_space<hbm>> -> memref<128x32xf32, #tpu.memory_space<hbm>>
      tpu.wait_dma2 semaphore(%arg19 : memref<!tpu.dma_semaphore, #tpu.memory_space<semaphore_mem>>) src(%dma_wait3A_113 : memref<128x32xf32, #tpu.memory_space<hbm>>) dst(%arg11 : memref<128x32xf32, #tpu.memory_space<vmem>>)
      %add3A_114 = arith.constant 2 : i32
      %add3A_115 = arith.addi %mul3A_80, %add3A_114 : i32
      %dma_start3A_116 = arith.constant 0 : i32
      %dma_start3A_117 = tpu.memref_slice %arg8[%add3A_115, %dma_start3A_116] : memref<80x128xi32, #tpu.memory_space<vmem>> -> memref<1x128xi32, #tpu.memory_space<vmem>>
      %dma_start3A_118 = tpu.memref_squeeze %dma_start3A_117 : memref<1x128xi32, #tpu.memory_space<vmem>> -> memref<128xi32, #tpu.memory_space<vmem>>
      %dma_start3A_119 = arith.constant 0 : i32
      %dma_start3A_120 = arith.constant 0 : i32
      %dma_start3A_121 = tpu.memref_slice %arg33[%dma_start3A_119, %dma_start3A_120] : memref<10112x32xf32, #tpu.memory_space<vmem_shared>> -> memref<10112x32xf32, #tpu.memory_space<vmem_shared>>
      tpu.enqueue_indirect_dma source(%arg11 : memref<128x32xf32, #tpu.memory_space<vmem>>) target(%dma_start3A_121 : memref<10112x32xf32, #tpu.memory_space<vmem_shared>>) offsets(%dma_start3A_118 : memref<128xi32, #tpu.memory_space<vmem>>) semaphore(%arg27 : memref<!tpu.dma_semaphore, #tpu.memory_space<semaphore_mem>>) {add = true}
      %dma_wait3A_122 = arith.constant 0 : i32
      %dma_wait3A_123 = arith.constant 0 : i32
      %dma_wait3A_124 = tpu.memref_slice %arg2[%dma_wait3A_122, %dma_wait3A_123] : memref<10112x32xf32, #tpu.memory_space<hbm>> -> memref<128x32xf32, #tpu.memory_space<hbm>>
      %dma_wait3A_125 = arith.constant 0 : i32
      %dma_wait3A_126 = arith.constant 0 : i32
      %dma_wait3A_127 = tpu.memref_slice %arg2[%dma_wait3A_125, %dma_wait3A_126] : memref<10112x32xf32, #tpu.memory_space<hbm>> -> memref<128x32xf32, #tpu.memory_space<hbm>>
      tpu.wait_dma2 semaphore(%arg20 : memref<!tpu.dma_semaphore, #tpu.memory_space<semaphore_mem>>) src(%dma_wait3A_127 : memref<128x32xf32, #tpu.memory_space<hbm>>) dst(%arg12 : memref<128x32xf32, #tpu.memory_space<vmem>>)
      %add3A_128 = arith.constant 3 : i32
      %add3A_129 = arith.addi %mul3A_80, %add3A_128 : i32
      %dma_start3A_130 = arith.constant 0 : i32
      %dma_start3A_131 = tpu.memref_slice %arg8[%add3A_129, %dma_start3A_130] : memref<80x128xi32, #tpu.memory_space<vmem>> -> memref<1x128xi32, #tpu.memory_space<vmem>>
      %dma_start3A_132 = tpu.memref_squeeze %dma_start3A_131 : memref<1x128xi32, #tpu.memory_space<vmem>> -> memref<128xi32, #tpu.memory_space<vmem>>
      %dma_start3A_133 = arith.constant 0 : i32
      %dma_start3A_134 = arith.constant 0 : i32
      %dma_start3A_135 = tpu.memref_slice %arg33[%dma_start3A_133, %dma_start3A_134] : memref<10112x32xf32, #tpu.memory_space<vmem_shared>> -> memref<10112x32xf32, #tpu.memory_space<vmem_shared>>
      tpu.enqueue_indirect_dma source(%arg12 : memref<128x32xf32, #tpu.memory_space<vmem>>) target(%dma_start3A_135 : memref<10112x32xf32, #tpu.memory_space<vmem_shared>>) offsets(%dma_start3A_132 : memref<128xi32, #tpu.memory_space<vmem>>) semaphore(%arg28 : memref<!tpu.dma_semaphore, #tpu.memory_space<semaphore_mem>>) {add = true}
      %dma_wait3A_136 = arith.constant 0 : i32
      %dma_wait3A_137 = arith.constant 0 : i32
      %dma_wait3A_138 = tpu.memref_slice %arg2[%dma_wait3A_136, %dma_wait3A_137] : memref<10112x32xf32, #tpu.memory_space<hbm>> -> memref<128x32xf32, #tpu.memory_space<hbm>>
      %dma_wait3A_139 = arith.constant 0 : i32
      %dma_wait3A_140 = arith.constant 0 : i32
      %dma_wait3A_141 = tpu.memref_slice %arg2[%dma_wait3A_139, %dma_wait3A_140] : memref<10112x32xf32, #tpu.memory_space<hbm>> -> memref<128x32xf32, #tpu.memory_space<hbm>>
      tpu.wait_dma2 semaphore(%arg21 : memref<!tpu.dma_semaphore, #tpu.memory_space<semaphore_mem>>) src(%dma_wait3A_141 : memref<128x32xf32, #tpu.memory_space<hbm>>) dst(%arg13 : memref<128x32xf32, #tpu.memory_space<vmem>>)
      %add3A_142 = arith.constant 4 : i32
      %add3A_143 = arith.addi %mul3A_80, %add3A_142 : i32
      %dma_start3A_144 = arith.constant 0 : i32
      %dma_start3A_145 = tpu.memref_slice %arg8[%add3A_143, %dma_start3A_144] : memref<80x128xi32, #tpu.memory_space<vmem>> -> memref<1x128xi32, #tpu.memory_space<vmem>>
      %dma_start3A_146 = tpu.memref_squeeze %dma_start3A_145 : memref<1x128xi32, #tpu.memory_space<vmem>> -> memref<128xi32, #tpu.memory_space<vmem>>
      %dma_start3A_147 = arith.constant 0 : i32
      %dma_start3A_148 = arith.constant 0 : i32
      %dma_start3A_149 = tpu.memref_slice %arg33[%dma_start3A_147, %dma_start3A_148] : memref<10112x32xf32, #tpu.memory_space<vmem_shared>> -> memref<10112x32xf32, #tpu.memory_space<vmem_shared>>
      tpu.enqueue_indirect_dma source(%arg13 : memref<128x32xf32, #tpu.memory_space<vmem>>) target(%dma_start3A_149 : memref<10112x32xf32, #tpu.memory_space<vmem_shared>>) offsets(%dma_start3A_146 : memref<128xi32, #tpu.memory_space<vmem>>) semaphore(%arg29 : memref<!tpu.dma_semaphore, #tpu.memory_space<semaphore_mem>>) {add = true}
      %dma_wait3A_150 = arith.constant 0 : i32
      %dma_wait3A_151 = arith.constant 0 : i32
      %dma_wait3A_152 = tpu.memref_slice %arg2[%dma_wait3A_150, %dma_wait3A_151] : memref<10112x32xf32, #tpu.memory_space<hbm>> -> memref<128x32xf32, #tpu.memory_space<hbm>>
      %dma_wait3A_153 = arith.constant 0 : i32
      %dma_wait3A_154 = arith.constant 0 : i32
      %dma_wait3A_155 = tpu.memref_slice %arg2[%dma_wait3A_153, %dma_wait3A_154] : memref<10112x32xf32, #tpu.memory_space<hbm>> -> memref<128x32xf32, #tpu.memory_space<hbm>>
      tpu.wait_dma2 semaphore(%arg22 : memref<!tpu.dma_semaphore, #tpu.memory_space<semaphore_mem>>) src(%dma_wait3A_155 : memref<128x32xf32, #tpu.memory_space<hbm>>) dst(%arg14 : memref<128x32xf32, #tpu.memory_space<vmem>>)
      %add3A_156 = arith.constant 5 : i32
      %add3A_157 = arith.addi %mul3A_80, %add3A_156 : i32
      %dma_start3A_158 = arith.constant 0 : i32
      %dma_start3A_159 = tpu.memref_slice %arg8[%add3A_157, %dma_start3A_158] : memref<80x128xi32, #tpu.memory_space<vmem>> -> memref<1x128xi32, #tpu.memory_space<vmem>>
      %dma_start3A_160 = tpu.memref_squeeze %dma_start3A_159 : memref<1x128xi32, #tpu.memory_space<vmem>> -> memref<128xi32, #tpu.memory_space<vmem>>
      %dma_start3A_161 = arith.constant 0 : i32
      %dma_start3A_162 = arith.constant 0 : i32
      %dma_start3A_163 = tpu.memref_slice %arg33[%dma_start3A_161, %dma_start3A_162] : memref<10112x32xf32, #tpu.memory_space<vmem_shared>> -> memref<10112x32xf32, #tpu.memory_space<vmem_shared>>
      tpu.enqueue_indirect_dma source(%arg14 : memref<128x32xf32, #tpu.memory_space<vmem>>) target(%dma_start3A_163 : memref<10112x32xf32, #tpu.memory_space<vmem_shared>>) offsets(%dma_start3A_160 : memref<128xi32, #tpu.memory_space<vmem>>) semaphore(%arg30 : memref<!tpu.dma_semaphore, #tpu.memory_space<semaphore_mem>>) {add = true}
      %dma_wait3A_164 = arith.constant 0 : i32
      %dma_wait3A_165 = arith.constant 0 : i32
      %dma_wait3A_166 = tpu.memref_slice %arg2[%dma_wait3A_164, %dma_wait3A_165] : memref<10112x32xf32, #tpu.memory_space<hbm>> -> memref<128x32xf32, #tpu.memory_space<hbm>>
      %dma_wait3A_167 = arith.constant 0 : i32
      %dma_wait3A_168 = arith.constant 0 : i32
      %dma_wait3A_169 = tpu.memref_slice %arg2[%dma_wait3A_167, %dma_wait3A_168] : memref<10112x32xf32, #tpu.memory_space<hbm>> -> memref<128x32xf32, #tpu.memory_space<hbm>>
      tpu.wait_dma2 semaphore(%arg23 : memref<!tpu.dma_semaphore, #tpu.memory_space<semaphore_mem>>) src(%dma_wait3A_169 : memref<128x32xf32, #tpu.memory_space<hbm>>) dst(%arg15 : memref<128x32xf32, #tpu.memory_space<vmem>>)
      %add3A_170 = arith.constant 6 : i32
      %add3A_171 = arith.addi %mul3A_80, %add3A_170 : i32
      %dma_start3A_172 = arith.constant 0 : i32
      %dma_start3A_173 = tpu.memref_slice %arg8[%add3A_171, %dma_start3A_172] : memref<80x128xi32, #tpu.memory_space<vmem>> -> memref<1x128xi32, #tpu.memory_space<vmem>>
      %dma_start3A_174 = tpu.memref_squeeze %dma_start3A_173 : memref<1x128xi32, #tpu.memory_space<vmem>> -> memref<128xi32, #tpu.memory_space<vmem>>
      %dma_start3A_175 = arith.constant 0 : i32
      %dma_start3A_176 = arith.constant 0 : i32
      %dma_start3A_177 = tpu.memref_slice %arg33[%dma_start3A_175, %dma_start3A_176] : memref<10112x32xf32, #tpu.memory_space<vmem_shared>> -> memref<10112x32xf32, #tpu.memory_space<vmem_shared>>
      tpu.enqueue_indirect_dma source(%arg15 : memref<128x32xf32, #tpu.memory_space<vmem>>) target(%dma_start3A_177 : memref<10112x32xf32, #tpu.memory_space<vmem_shared>>) offsets(%dma_start3A_174 : memref<128xi32, #tpu.memory_space<vmem>>) semaphore(%arg31 : memref<!tpu.dma_semaphore, #tpu.memory_space<semaphore_mem>>) {add = true}
      %dma_wait3A_178 = arith.constant 0 : i32
      %dma_wait3A_179 = arith.constant 0 : i32
      %dma_wait3A_180 = tpu.memref_slice %arg2[%dma_wait3A_178, %dma_wait3A_179] : memref<10112x32xf32, #tpu.memory_space<hbm>> -> memref<128x32xf32, #tpu.memory_space<hbm>>
      %dma_wait3A_181 = arith.constant 0 : i32
      %dma_wait3A_182 = arith.constant 0 : i32
      %dma_wait3A_183 = tpu.memref_slice %arg2[%dma_wait3A_181, %dma_wait3A_182] : memref<10112x32xf32, #tpu.memory_space<hbm>> -> memref<128x32xf32, #tpu.memory_space<hbm>>
      tpu.wait_dma2 semaphore(%arg24 : memref<!tpu.dma_semaphore, #tpu.memory_space<semaphore_mem>>) src(%dma_wait3A_183 : memref<128x32xf32, #tpu.memory_space<hbm>>) dst(%arg16 : memref<128x32xf32, #tpu.memory_space<vmem>>)
      %add3A_184 = arith.constant 7 : i32
      %add3A_185 = arith.addi %mul3A_80, %add3A_184 : i32
      %dma_start3A_186 = arith.constant 0 : i32
      %dma_start3A_187 = tpu.memref_slice %arg8[%add3A_185, %dma_start3A_186] : memref<80x128xi32, #tpu.memory_space<vmem>> -> memref<1x128xi32, #tpu.memory_space<vmem>>
      %dma_start3A_188 = tpu.memref_squeeze %dma_start3A_187 : memref<1x128xi32, #tpu.memory_space<vmem>> -> memref<128xi32, #tpu.memory_space<vmem>>
      %dma_start3A_189 = arith.constant 0 : i32
      %dma_start3A_190 = arith.constant 0 : i32
      %dma_start3A_191 = tpu.memref_slice %arg33[%dma_start3A_189, %dma_start3A_190] : memref<10112x32xf32, #tpu.memory_space<vmem_shared>> -> memref<10112x32xf32, #tpu.memory_space<vmem_shared>>
      tpu.enqueue_indirect_dma source(%arg16 : memref<128x32xf32, #tpu.memory_space<vmem>>) target(%dma_start3A_191 : memref<10112x32xf32, #tpu.memory_space<vmem_shared>>) offsets(%dma_start3A_188 : memref<128xi32, #tpu.memory_space<vmem>>) semaphore(%arg32 : memref<!tpu.dma_semaphore, #tpu.memory_space<semaphore_mem>>) {add = true}
      %dma_wait3A_192 = arith.constant 0 : i32
      %dma_wait3A_193 = tpu.memref_slice %arg8[%add3A_87, %dma_wait3A_192] : memref<80x128xi32, #tpu.memory_space<vmem>> -> memref<1x128xi32, #tpu.memory_space<vmem>>
      %dma_wait3A_194 = tpu.memref_squeeze %dma_wait3A_193 : memref<1x128xi32, #tpu.memory_space<vmem>> -> memref<128xi32, #tpu.memory_space<vmem>>
      %dma_wait3A_195 = arith.constant 0 : i32
      %dma_wait3A_196 = arith.constant 0 : i32
      %dma_wait3A_197 = tpu.memref_slice %arg33[%dma_wait3A_195, %dma_wait3A_196] : memref<10112x32xf32, #tpu.memory_space<vmem_shared>> -> memref<10112x32xf32, #tpu.memory_space<vmem_shared>>
      tpu.wait_indirect_dma semaphore(%arg25 : memref<!tpu.dma_semaphore, #tpu.memory_space<semaphore_mem>>) src(%arg9 : memref<128x32xf32, #tpu.memory_space<vmem>>) dst(%dma_wait3A_197 : memref<10112x32xf32, #tpu.memory_space<vmem_shared>>)
      %lt3A = arith.constant 9 : i32
      %lt3A_198 = arith.cmpi slt, %scan3A_78, %lt3A : i32
      %convert_element_type3A = arith.extui %lt3A_198 : i1 to i32
      %cond3A = arith.constant 0 : i32
      %cond3A_199 = arith.cmpi ne, %convert_element_type3A, %cond3A : i32
      scf.if %cond3A_199 {
        %add3A_277 = arith.constant 8 : i32
        %add3A_278 = arith.addi %mul3A_80, %add3A_277 : i32
        %add3A_279 = arith.constant 0 : i32
        %add3A_280 = arith.addi %add3A_278, %add3A_279 : i32
        %dma_start3A_281 = arith.constant 0 : i32
        %dma_start3A_282 = tpu.memref_slice %arg7[%add3A_280, %dma_start3A_281] : memref<80x128xi32, #tpu.memory_space<vmem>> -> memref<1x128xi32, #tpu.memory_space<vmem>>
        %dma_start3A_283 = tpu.memref_squeeze %dma_start3A_282 : memref<1x128xi32, #tpu.memory_space<vmem>> -> memref<128xi32, #tpu.memory_space<vmem>>
        %dma_start3A_284 = arith.constant 0 : i32
        %dma_start3A_285 = arith.constant 0 : i32
        %dma_start3A_286 = tpu.memref_slice %arg34[%dma_start3A_284, %dma_start3A_285] : memref<10112x32xf32, #tpu.memory_space<vmem_shared>> -> memref<10112x32xf32, #tpu.memory_space<vmem_shared>>
        tpu.enqueue_indirect_dma source(%dma_start3A_286 : memref<10112x32xf32, #tpu.memory_space<vmem_shared>>) target(%arg9 : memref<128x32xf32, #tpu.memory_space<vmem>>) offsets(%dma_start3A_283 : memref<128xi32, #tpu.memory_space<vmem>>) semaphore(%arg17 : memref<!tpu.dma_semaphore, #tpu.memory_space<semaphore_mem>>)
      } else {
      }
      %dma_wait3A_200 = arith.constant 0 : i32
      %dma_wait3A_201 = tpu.memref_slice %arg8[%add3A_101, %dma_wait3A_200] : memref<80x128xi32, #tpu.memory_space<vmem>> -> memref<1x128xi32, #tpu.memory_space<vmem>>
      %dma_wait3A_202 = tpu.memref_squeeze %dma_wait3A_201 : memref<1x128xi32, #tpu.memory_space<vmem>> -> memref<128xi32, #tpu.memory_space<vmem>>
      %dma_wait3A_203 = arith.constant 0 : i32
      %dma_wait3A_204 = arith.constant 0 : i32
      %dma_wait3A_205 = tpu.memref_slice %arg33[%dma_wait3A_203, %dma_wait3A_204] : memref<10112x32xf32, #tpu.memory_space<vmem_shared>> -> memref<10112x32xf32, #tpu.memory_space<vmem_shared>>
      tpu.wait_indirect_dma semaphore(%arg26 : memref<!tpu.dma_semaphore, #tpu.memory_space<semaphore_mem>>) src(%arg10 : memref<128x32xf32, #tpu.memory_space<vmem>>) dst(%dma_wait3A_205 : memref<10112x32xf32, #tpu.memory_space<vmem_shared>>)
      %lt3A_206 = arith.constant 9 : i32
      %lt3A_207 = arith.cmpi slt, %scan3A_78, %lt3A_206 : i32
      %convert_element_type3A_208 = arith.extui %lt3A_207 : i1 to i32
      %cond3A_209 = arith.constant 0 : i32
      %cond3A_210 = arith.cmpi ne, %convert_element_type3A_208, %cond3A_209 : i32
      scf.if %cond3A_210 {
        %add3A_277 = arith.constant 8 : i32
        %add3A_278 = arith.addi %mul3A_80, %add3A_277 : i32
        %add3A_279 = arith.constant 1 : i32
        %add3A_280 = arith.addi %add3A_278, %add3A_279 : i32
        %dma_start3A_281 = arith.constant 0 : i32
        %dma_start3A_282 = tpu.memref_slice %arg7[%add3A_280, %dma_start3A_281] : memref<80x128xi32, #tpu.memory_space<vmem>> -> memref<1x128xi32, #tpu.memory_space<vmem>>
        %dma_start3A_283 = tpu.memref_squeeze %dma_start3A_282 : memref<1x128xi32, #tpu.memory_space<vmem>> -> memref<128xi32, #tpu.memory_space<vmem>>
        %dma_start3A_284 = arith.constant 0 : i32
        %dma_start3A_285 = arith.constant 0 : i32
        %dma_start3A_286 = tpu.memref_slice %arg34[%dma_start3A_284, %dma_start3A_285] : memref<10112x32xf32, #tpu.memory_space<vmem_shared>> -> memref<10112x32xf32, #tpu.memory_space<vmem_shared>>
        tpu.enqueue_indirect_dma source(%dma_start3A_286 : memref<10112x32xf32, #tpu.memory_space<vmem_shared>>) target(%arg10 : memref<128x32xf32, #tpu.memory_space<vmem>>) offsets(%dma_start3A_283 : memref<128xi32, #tpu.memory_space<vmem>>) semaphore(%arg18 : memref<!tpu.dma_semaphore, #tpu.memory_space<semaphore_mem>>)
      } else {
      }
      %dma_wait3A_211 = arith.constant 0 : i32
      %dma_wait3A_212 = tpu.memref_slice %arg8[%add3A_115, %dma_wait3A_211] : memref<80x128xi32, #tpu.memory_space<vmem>> -> memref<1x128xi32, #tpu.memory_space<vmem>>
      %dma_wait3A_213 = tpu.memref_squeeze %dma_wait3A_212 : memref<1x128xi32, #tpu.memory_space<vmem>> -> memref<128xi32, #tpu.memory_space<vmem>>
      %dma_wait3A_214 = arith.constant 0 : i32
      %dma_wait3A_215 = arith.constant 0 : i32
      %dma_wait3A_216 = tpu.memref_slice %arg33[%dma_wait3A_214, %dma_wait3A_215] : memref<10112x32xf32, #tpu.memory_space<vmem_shared>> -> memref<10112x32xf32, #tpu.memory_space<vmem_shared>>
      tpu.wait_indirect_dma semaphore(%arg27 : memref<!tpu.dma_semaphore, #tpu.memory_space<semaphore_mem>>) src(%arg11 : memref<128x32xf32, #tpu.memory_space<vmem>>) dst(%dma_wait3A_216 : memref<10112x32xf32, #tpu.memory_space<vmem_shared>>)
      %lt3A_217 = arith.constant 9 : i32
      %lt3A_218 = arith.cmpi slt, %scan3A_78, %lt3A_217 : i32
      %convert_element_type3A_219 = arith.extui %lt3A_218 : i1 to i32
      %cond3A_220 = arith.constant 0 : i32
      %cond3A_221 = arith.cmpi ne, %convert_element_type3A_219, %cond3A_220 : i32
      scf.if %cond3A_221 {
        %add3A_277 = arith.constant 8 : i32
        %add3A_278 = arith.addi %mul3A_80, %add3A_277 : i32
        %add3A_279 = arith.constant 2 : i32
        %add3A_280 = arith.addi %add3A_278, %add3A_279 : i32
        %dma_start3A_281 = arith.constant 0 : i32
        %dma_start3A_282 = tpu.memref_slice %arg7[%add3A_280, %dma_start3A_281] : memref<80x128xi32, #tpu.memory_space<vmem>> -> memref<1x128xi32, #tpu.memory_space<vmem>>
        %dma_start3A_283 = tpu.memref_squeeze %dma_start3A_282 : memref<1x128xi32, #tpu.memory_space<vmem>> -> memref<128xi32, #tpu.memory_space<vmem>>
        %dma_start3A_284 = arith.constant 0 : i32
        %dma_start3A_285 = arith.constant 0 : i32
        %dma_start3A_286 = tpu.memref_slice %arg34[%dma_start3A_284, %dma_start3A_285] : memref<10112x32xf32, #tpu.memory_space<vmem_shared>> -> memref<10112x32xf32, #tpu.memory_space<vmem_shared>>
        tpu.enqueue_indirect_dma source(%dma_start3A_286 : memref<10112x32xf32, #tpu.memory_space<vmem_shared>>) target(%arg11 : memref<128x32xf32, #tpu.memory_space<vmem>>) offsets(%dma_start3A_283 : memref<128xi32, #tpu.memory_space<vmem>>) semaphore(%arg19 : memref<!tpu.dma_semaphore, #tpu.memory_space<semaphore_mem>>)
      } else {
      }
      %dma_wait3A_222 = arith.constant 0 : i32
      %dma_wait3A_223 = tpu.memref_slice %arg8[%add3A_129, %dma_wait3A_222] : memref<80x128xi32, #tpu.memory_space<vmem>> -> memref<1x128xi32, #tpu.memory_space<vmem>>
      %dma_wait3A_224 = tpu.memref_squeeze %dma_wait3A_223 : memref<1x128xi32, #tpu.memory_space<vmem>> -> memref<128xi32, #tpu.memory_space<vmem>>
      %dma_wait3A_225 = arith.constant 0 : i32
      %dma_wait3A_226 = arith.constant 0 : i32
      %dma_wait3A_227 = tpu.memref_slice %arg33[%dma_wait3A_225, %dma_wait3A_226] : memref<10112x32xf32, #tpu.memory_space<vmem_shared>> -> memref<10112x32xf32, #tpu.memory_space<vmem_shared>>
      tpu.wait_indirect_dma semaphore(%arg28 : memref<!tpu.dma_semaphore, #tpu.memory_space<semaphore_mem>>) src(%arg12 : memref<128x32xf32, #tpu.memory_space<vmem>>) dst(%dma_wait3A_227 : memref<10112x32xf32, #tpu.memory_space<vmem_shared>>)
      %lt3A_228 = arith.constant 9 : i32
      %lt3A_229 = arith.cmpi slt, %scan3A_78, %lt3A_228 : i32
      %convert_element_type3A_230 = arith.extui %lt3A_229 : i1 to i32
      %cond3A_231 = arith.constant 0 : i32
      %cond3A_232 = arith.cmpi ne, %convert_element_type3A_230, %cond3A_231 : i32
      scf.if %cond3A_232 {
        %add3A_277 = arith.constant 8 : i32
        %add3A_278 = arith.addi %mul3A_80, %add3A_277 : i32
        %add3A_279 = arith.constant 3 : i32
        %add3A_280 = arith.addi %add3A_278, %add3A_279 : i32
        %dma_start3A_281 = arith.constant 0 : i32
        %dma_start3A_282 = tpu.memref_slice %arg7[%add3A_280, %dma_start3A_281] : memref<80x128xi32, #tpu.memory_space<vmem>> -> memref<1x128xi32, #tpu.memory_space<vmem>>
        %dma_start3A_283 = tpu.memref_squeeze %dma_start3A_282 : memref<1x128xi32, #tpu.memory_space<vmem>> -> memref<128xi32, #tpu.memory_space<vmem>>
        %dma_start3A_284 = arith.constant 0 : i32
        %dma_start3A_285 = arith.constant 0 : i32
        %dma_start3A_286 = tpu.memref_slice %arg34[%dma_start3A_284, %dma_start3A_285] : memref<10112x32xf32, #tpu.memory_space<vmem_shared>> -> memref<10112x32xf32, #tpu.memory_space<vmem_shared>>
        tpu.enqueue_indirect_dma source(%dma_start3A_286 : memref<10112x32xf32, #tpu.memory_space<vmem_shared>>) target(%arg12 : memref<128x32xf32, #tpu.memory_space<vmem>>) offsets(%dma_start3A_283 : memref<128xi32, #tpu.memory_space<vmem>>) semaphore(%arg20 : memref<!tpu.dma_semaphore, #tpu.memory_space<semaphore_mem>>)
      } else {
      }
      %dma_wait3A_233 = arith.constant 0 : i32
      %dma_wait3A_234 = tpu.memref_slice %arg8[%add3A_143, %dma_wait3A_233] : memref<80x128xi32, #tpu.memory_space<vmem>> -> memref<1x128xi32, #tpu.memory_space<vmem>>
      %dma_wait3A_235 = tpu.memref_squeeze %dma_wait3A_234 : memref<1x128xi32, #tpu.memory_space<vmem>> -> memref<128xi32, #tpu.memory_space<vmem>>
      %dma_wait3A_236 = arith.constant 0 : i32
      %dma_wait3A_237 = arith.constant 0 : i32
      %dma_wait3A_238 = tpu.memref_slice %arg33[%dma_wait3A_236, %dma_wait3A_237] : memref<10112x32xf32, #tpu.memory_space<vmem_shared>> -> memref<10112x32xf32, #tpu.memory_space<vmem_shared>>
      tpu.wait_indirect_dma semaphore(%arg29 : memref<!tpu.dma_semaphore, #tpu.memory_space<semaphore_mem>>) src(%arg13 : memref<128x32xf32, #tpu.memory_space<vmem>>) dst(%dma_wait3A_238 : memref<10112x32xf32, #tpu.memory_space<vmem_shared>>)
      %lt3A_239 = arith.constant 9 : i32
      %lt3A_240 = arith.cmpi slt, %scan3A_78, %lt3A_239 : i32
      %convert_element_type3A_241 = arith.extui %lt3A_240 : i1 to i32
      %cond3A_242 = arith.constant 0 : i32
      %cond3A_243 = arith.cmpi ne, %convert_element_type3A_241, %cond3A_242 : i32
      scf.if %cond3A_243 {
        %add3A_277 = arith.constant 8 : i32
        %add3A_278 = arith.addi %mul3A_80, %add3A_277 : i32
        %add3A_279 = arith.constant 4 : i32
        %add3A_280 = arith.addi %add3A_278, %add3A_279 : i32
        %dma_start3A_281 = arith.constant 0 : i32
        %dma_start3A_282 = tpu.memref_slice %arg7[%add3A_280, %dma_start3A_281] : memref<80x128xi32, #tpu.memory_space<vmem>> -> memref<1x128xi32, #tpu.memory_space<vmem>>
        %dma_start3A_283 = tpu.memref_squeeze %dma_start3A_282 : memref<1x128xi32, #tpu.memory_space<vmem>> -> memref<128xi32, #tpu.memory_space<vmem>>
        %dma_start3A_284 = arith.constant 0 : i32
        %dma_start3A_285 = arith.constant 0 : i32
        %dma_start3A_286 = tpu.memref_slice %arg34[%dma_start3A_284, %dma_start3A_285] : memref<10112x32xf32, #tpu.memory_space<vmem_shared>> -> memref<10112x32xf32, #tpu.memory_space<vmem_shared>>
        tpu.enqueue_indirect_dma source(%dma_start3A_286 : memref<10112x32xf32, #tpu.memory_space<vmem_shared>>) target(%arg13 : memref<128x32xf32, #tpu.memory_space<vmem>>) offsets(%dma_start3A_283 : memref<128xi32, #tpu.memory_space<vmem>>) semaphore(%arg21 : memref<!tpu.dma_semaphore, #tpu.memory_space<semaphore_mem>>)
      } else {
      }
      %dma_wait3A_244 = arith.constant 0 : i32
      %dma_wait3A_245 = tpu.memref_slice %arg8[%add3A_157, %dma_wait3A_244] : memref<80x128xi32, #tpu.memory_space<vmem>> -> memref<1x128xi32, #tpu.memory_space<vmem>>
      %dma_wait3A_246 = tpu.memref_squeeze %dma_wait3A_245 : memref<1x128xi32, #tpu.memory_space<vmem>> -> memref<128xi32, #tpu.memory_space<vmem>>
      %dma_wait3A_247 = arith.constant 0 : i32
      %dma_wait3A_248 = arith.constant 0 : i32
      %dma_wait3A_249 = tpu.memref_slice %arg33[%dma_wait3A_247, %dma_wait3A_248] : memref<10112x32xf32, #tpu.memory_space<vmem_shared>> -> memref<10112x32xf32, #tpu.memory_space<vmem_shared>>
      tpu.wait_indirect_dma semaphore(%arg30 : memref<!tpu.dma_semaphore, #tpu.memory_space<semaphore_mem>>) src(%arg14 : memref<128x32xf32, #tpu.memory_space<vmem>>) dst(%dma_wait3A_249 : memref<10112x32xf32, #tpu.memory_space<vmem_shared>>)
      %lt3A_250 = arith.constant 9 : i32
      %lt3A_251 = arith.cmpi slt, %scan3A_78, %lt3A_250 : i32
      %convert_element_type3A_252 = arith.extui %lt3A_251 : i1 to i32
      %cond3A_253 = arith.constant 0 : i32
      %cond3A_254 = arith.cmpi ne, %convert_element_type3A_252, %cond3A_253 : i32
      scf.if %cond3A_254 {
        %add3A_277 = arith.constant 8 : i32
        %add3A_278 = arith.addi %mul3A_80, %add3A_277 : i32
        %add3A_279 = arith.constant 5 : i32
        %add3A_280 = arith.addi %add3A_278, %add3A_279 : i32
        %dma_start3A_281 = arith.constant 0 : i32
        %dma_start3A_282 = tpu.memref_slice %arg7[%add3A_280, %dma_start3A_281] : memref<80x128xi32, #tpu.memory_space<vmem>> -> memref<1x128xi32, #tpu.memory_space<vmem>>
        %dma_start3A_283 = tpu.memref_squeeze %dma_start3A_282 : memref<1x128xi32, #tpu.memory_space<vmem>> -> memref<128xi32, #tpu.memory_space<vmem>>
        %dma_start3A_284 = arith.constant 0 : i32
        %dma_start3A_285 = arith.constant 0 : i32
        %dma_start3A_286 = tpu.memref_slice %arg34[%dma_start3A_284, %dma_start3A_285] : memref<10112x32xf32, #tpu.memory_space<vmem_shared>> -> memref<10112x32xf32, #tpu.memory_space<vmem_shared>>
        tpu.enqueue_indirect_dma source(%dma_start3A_286 : memref<10112x32xf32, #tpu.memory_space<vmem_shared>>) target(%arg14 : memref<128x32xf32, #tpu.memory_space<vmem>>) offsets(%dma_start3A_283 : memref<128xi32, #tpu.memory_space<vmem>>) semaphore(%arg22 : memref<!tpu.dma_semaphore, #tpu.memory_space<semaphore_mem>>)
      } else {
      }
      %dma_wait3A_255 = arith.constant 0 : i32
      %dma_wait3A_256 = tpu.memref_slice %arg8[%add3A_171, %dma_wait3A_255] : memref<80x128xi32, #tpu.memory_space<vmem>> -> memref<1x128xi32, #tpu.memory_space<vmem>>
      %dma_wait3A_257 = tpu.memref_squeeze %dma_wait3A_256 : memref<1x128xi32, #tpu.memory_space<vmem>> -> memref<128xi32, #tpu.memory_space<vmem>>
      %dma_wait3A_258 = arith.constant 0 : i32
      %dma_wait3A_259 = arith.constant 0 : i32
      %dma_wait3A_260 = tpu.memref_slice %arg33[%dma_wait3A_258, %dma_wait3A_259] : memref<10112x32xf32, #tpu.memory_space<vmem_shared>> -> memref<10112x32xf32, #tpu.memory_space<vmem_shared>>
      tpu.wait_indirect_dma semaphore(%arg31 : memref<!tpu.dma_semaphore, #tpu.memory_space<semaphore_mem>>) src(%arg15 : memref<128x32xf32, #tpu.memory_space<vmem>>) dst(%dma_wait3A_260 : memref<10112x32xf32, #tpu.memory_space<vmem_shared>>)
      %lt3A_261 = arith.constant 9 : i32
      %lt3A_262 = arith.cmpi slt, %scan3A_78, %lt3A_261 : i32
      %convert_element_type3A_263 = arith.extui %lt3A_262 : i1 to i32
      %cond3A_264 = arith.constant 0 : i32
      %cond3A_265 = arith.cmpi ne, %convert_element_type3A_263, %cond3A_264 : i32
      scf.if %cond3A_265 {
        %add3A_277 = arith.constant 8 : i32
        %add3A_278 = arith.addi %mul3A_80, %add3A_277 : i32
        %add3A_279 = arith.constant 6 : i32
        %add3A_280 = arith.addi %add3A_278, %add3A_279 : i32
        %dma_start3A_281 = arith.constant 0 : i32
        %dma_start3A_282 = tpu.memref_slice %arg7[%add3A_280, %dma_start3A_281] : memref<80x128xi32, #tpu.memory_space<vmem>> -> memref<1x128xi32, #tpu.memory_space<vmem>>
        %dma_start3A_283 = tpu.memref_squeeze %dma_start3A_282 : memref<1x128xi32, #tpu.memory_space<vmem>> -> memref<128xi32, #tpu.memory_space<vmem>>
        %dma_start3A_284 = arith.constant 0 : i32
        %dma_start3A_285 = arith.constant 0 : i32
        %dma_start3A_286 = tpu.memref_slice %arg34[%dma_start3A_284, %dma_start3A_285] : memref<10112x32xf32, #tpu.memory_space<vmem_shared>> -> memref<10112x32xf32, #tpu.memory_space<vmem_shared>>
        tpu.enqueue_indirect_dma source(%dma_start3A_286 : memref<10112x32xf32, #tpu.memory_space<vmem_shared>>) target(%arg15 : memref<128x32xf32, #tpu.memory_space<vmem>>) offsets(%dma_start3A_283 : memref<128xi32, #tpu.memory_space<vmem>>) semaphore(%arg23 : memref<!tpu.dma_semaphore, #tpu.memory_space<semaphore_mem>>)
      } else {
      }
      %dma_wait3A_266 = arith.constant 0 : i32
      %dma_wait3A_267 = tpu.memref_slice %arg8[%add3A_185, %dma_wait3A_266] : memref<80x128xi32, #tpu.memory_space<vmem>> -> memref<1x128xi32, #tpu.memory_space<vmem>>
      %dma_wait3A_268 = tpu.memref_squeeze %dma_wait3A_267 : memref<1x128xi32, #tpu.memory_space<vmem>> -> memref<128xi32, #tpu.memory_space<vmem>>
      %dma_wait3A_269 = arith.constant 0 : i32
      %dma_wait3A_270 = arith.constant 0 : i32
      %dma_wait3A_271 = tpu.memref_slice %arg33[%dma_wait3A_269, %dma_wait3A_270] : memref<10112x32xf32, #tpu.memory_space<vmem_shared>> -> memref<10112x32xf32, #tpu.memory_space<vmem_shared>>
      tpu.wait_indirect_dma semaphore(%arg32 : memref<!tpu.dma_semaphore, #tpu.memory_space<semaphore_mem>>) src(%arg16 : memref<128x32xf32, #tpu.memory_space<vmem>>) dst(%dma_wait3A_271 : memref<10112x32xf32, #tpu.memory_space<vmem_shared>>)
      %lt3A_272 = arith.constant 9 : i32
      %lt3A_273 = arith.cmpi slt, %scan3A_78, %lt3A_272 : i32
      %convert_element_type3A_274 = arith.extui %lt3A_273 : i1 to i32
      %cond3A_275 = arith.constant 0 : i32
      %cond3A_276 = arith.cmpi ne, %convert_element_type3A_274, %cond3A_275 : i32
      scf.if %cond3A_276 {
        %add3A_277 = arith.constant 8 : i32
        %add3A_278 = arith.addi %mul3A_80, %add3A_277 : i32
        %add3A_279 = arith.constant 7 : i32
        %add3A_280 = arith.addi %add3A_278, %add3A_279 : i32
        %dma_start3A_281 = arith.constant 0 : i32
        %dma_start3A_282 = tpu.memref_slice %arg7[%add3A_280, %dma_start3A_281] : memref<80x128xi32, #tpu.memory_space<vmem>> -> memref<1x128xi32, #tpu.memory_space<vmem>>
        %dma_start3A_283 = tpu.memref_squeeze %dma_start3A_282 : memref<1x128xi32, #tpu.memory_space<vmem>> -> memref<128xi32, #tpu.memory_space<vmem>>
        %dma_start3A_284 = arith.constant 0 : i32
        %dma_start3A_285 = arith.constant 0 : i32
        %dma_start3A_286 = tpu.memref_slice %arg34[%dma_start3A_284, %dma_start3A_285] : memref<10112x32xf32, #tpu.memory_space<vmem_shared>> -> memref<10112x32xf32, #tpu.memory_space<vmem_shared>>
        tpu.enqueue_indirect_dma source(%dma_start3A_286 : memref<10112x32xf32, #tpu.memory_space<vmem_shared>>) target(%arg16 : memref<128x32xf32, #tpu.memory_space<vmem>>) offsets(%dma_start3A_283 : memref<128xi32, #tpu.memory_space<vmem>>) semaphore(%arg24 : memref<!tpu.dma_semaphore, #tpu.memory_space<semaphore_mem>>)
      } else {
      }
    }
    %scan3A_72 = arith.constant 10 : i32
    %barrier3A_73 = arith.constant 0 : index
    tpu.barrier barrier_id(%barrier3A_73)
    %mul3A_74 = arith.constant 632 : i32
    %mul3A_75 = arith.muli %arg1, %mul3A_74 : i32
    %mul3A_76 = arith.constant 632 : i32
    %mul3A_77 = arith.muli %arg1, %mul3A_76 : i32
    "tpu.region"() ({
      %run_scoped3A = tpu.sem_alloc : memref<!tpu.dma_semaphore, #tpu.memory_space<semaphore_mem>>
      %dma_start3A_78 = arith.constant 0 : i32
      %dma_start3A_79 = tpu.memref_slice %arg6[%arg0, %mul3A_77, %dma_start3A_78] : memref<2x10112x32xf32, #tpu.memory_space<hbm>> -> memref<1x632x32xf32, #tpu.memory_space<hbm>>
      %dma_start3A_80 = tpu.memref_squeeze %dma_start3A_79 : memref<1x632x32xf32, #tpu.memory_space<hbm>> -> memref<632x32xf32, #tpu.memory_space<hbm>>
      %dma_start3A_81 = arith.constant 0 : i32
      %dma_start3A_82 = tpu.memref_slice %arg33[%mul3A_75, %dma_start3A_81] : memref<10112x32xf32, #tpu.memory_space<vmem_shared>> -> memref<632x32xf32, #tpu.memory_space<vmem_shared>>
      tpu.enqueue_dma source(%dma_start3A_82 : memref<632x32xf32, #tpu.memory_space<vmem_shared>>) target(%dma_start3A_80 : memref<632x32xf32, #tpu.memory_space<hbm>>) target_semaphore(%run_scoped3A : memref<!tpu.dma_semaphore, #tpu.memory_space<semaphore_mem>>)
      %dma_wait3A = arith.constant 0 : i32
      %dma_wait3A_83 = tpu.memref_slice %arg6[%arg0, %mul3A_77, %dma_wait3A] : memref<2x10112x32xf32, #tpu.memory_space<hbm>> -> memref<1x632x32xf32, #tpu.memory_space<hbm>>
      %dma_wait3A_84 = tpu.memref_squeeze %dma_wait3A_83 : memref<1x632x32xf32, #tpu.memory_space<hbm>> -> memref<632x32xf32, #tpu.memory_space<hbm>>
      %dma_wait3A_85 = arith.constant 0 : i32
      %dma_wait3A_86 = tpu.memref_slice %arg33[%mul3A_75, %dma_wait3A_85] : memref<10112x32xf32, #tpu.memory_space<vmem_shared>> -> memref<632x32xf32, #tpu.memory_space<vmem_shared>>
      tpu.wait_dma2 semaphore(%run_scoped3A : memref<!tpu.dma_semaphore, #tpu.memory_space<semaphore_mem>>) src(%dma_wait3A_86 : memref<632x32xf32, #tpu.memory_space<vmem_shared>>) dst(%dma_wait3A_84 : memref<632x32xf32, #tpu.memory_space<hbm>>)
      tpu.yield
    }) : () -> ()
    return
  }
}

module attributes {stable_mosaic.version = 14 : i64} {
  func.func @body(%arg0: memref<10112x128xf32, #tpu.memory_space<vmem>>, %arg1: memref<128x32xf32, #tpu.memory_space<vmem>>, %arg2: memref<128x32xf32, #tpu.memory_space<vmem>>, %arg3: memref<10112x32xf32, #tpu.memory_space<vmem>>, %arg4: memref<10112x32xf32, #tpu.memory_space<vmem>>) attributes {dimension_semantics = [], scalar_prefetch = 0 : i64, scratch_operands = 0 : i64, tpu.core_type = #tpu.core_type<tc>} {
    %get3A = arith.constant 0 : index
    %get3A_0 = arith.constant 0 : index
    %get3A_1 = vector.load %arg0[%get3A, %get3A_0] : memref<10112x128xf32, #tpu.memory_space<vmem>>, vector<10112x128xf32>
    %get3A_2 = arith.constant 0 : index
    %get3A_3 = arith.constant 0 : index
    %get3A_4 = vector.load %arg1[%get3A_2, %get3A_3] : memref<128x32xf32, #tpu.memory_space<vmem>>, vector<128x32xf32>
    %dot_general3A = arith.constant dense<0.000000e+00> : vector<10112x32xf32>
    %dot_general3A_5 = tpu.matmul %get3A_1, %get3A_4, %dot_general3A {dimension_numbers = #tpu.dot_dimension_numbers<[1], [0], [0], [1], [0, 0, 1, 1], [], []>, transpose_lhs_hint = false} : vector<10112x128xf32>, vector<128x32xf32>, vector<10112x32xf32> -> vector<10112x32xf32>
    %swap3A = arith.constant 0 : index
    %swap3A_6 = arith.constant 0 : index
    %swap3A_7 = vector.load %arg3[%swap3A, %swap3A_6] : memref<10112x32xf32, #tpu.memory_space<vmem>>, vector<10112x32xf32>
    tpu.vector_store %arg3[%swap3A, %swap3A_6], %dot_general3A_5 {strides = array<i32>} : memref<10112x32xf32, #tpu.memory_space<vmem>>, vector<10112x32xf32>,
    %get3A_8 = arith.constant 0 : index
    %get3A_9 = arith.constant 0 : index
    %get3A_10 = vector.load %arg2[%get3A_8, %get3A_9] : memref<128x32xf32, #tpu.memory_space<vmem>>, vector<128x32xf32>
    %dot_general3A_11 = arith.constant dense<0.000000e+00> : vector<10112x32xf32>
    %dot_general3A_12 = tpu.matmul %get3A_1, %get3A_10, %dot_general3A_11 {dimension_numbers = #tpu.dot_dimension_numbers<[1], [0], [0], [1], [0, 0, 1, 1], [], []>, transpose_lhs_hint = false} : vector<10112x128xf32>, vector<128x32xf32>, vector<10112x32xf32> -> vector<10112x32xf32>
    %swap3A_13 = arith.constant 0 : index
    %swap3A_14 = arith.constant 0 : index
    %swap3A_15 = vector.load %arg4[%swap3A_13, %swap3A_14] : memref<10112x32xf32, #tpu.memory_space<vmem>>, vector<10112x32xf32>
    tpu.vector_store %arg4[%swap3A_13, %swap3A_14], %dot_general3A_12 {strides = array<i32>} : memref<10112x32xf32, #tpu.memory_space<vmem>>, vector<10112x32xf32>,
    return
  }
}

module attributes {stable_mosaic.version = 14 : i64} {
  func.func @body(%arg0: memref<2x10112x32xf32, #tpu.memory_space<vmem>>, %arg1: memref<10112x32xf32, #tpu.memory_space<vmem>>, %arg2: memref<1x32xf32, #tpu.memory_space<vmem>>, %arg3: memref<1x32xf32, #tpu.memory_space<vmem>>, %arg4: memref<1x32xf32, #tpu.memory_space<vmem>>, %arg5: memref<32x32xf32, #tpu.memory_space<vmem>>, %arg6: memref<32x32xf32, #tpu.memory_space<vmem>>, %arg7: memref<10112x32xf32, #tpu.memory_space<vmem>>, %arg8: memref<10112x32xf32, #tpu.memory_space<vmem>>) attributes {dimension_semantics = [], scalar_prefetch = 0 : i64, scratch_operands = 0 : i64, tpu.core_type = #tpu.core_type<tc>} {
    %get3A = arith.constant 0 : index
    %get3A_0 = arith.constant 0 : index
    %get3A_1 = arith.constant 0 : index
    %get3A_2 = vector.load %arg0[%get3A, %get3A_0, %get3A_1] : memref<2x10112x32xf32, #tpu.memory_space<vmem>>, vector<1x10112x32xf32>
    %get3A_3 = vector.shape_cast %get3A_2 : vector<1x10112x32xf32> to vector<10112x32xf32>
    %get3A_4 = arith.constant 1 : index
    %get3A_5 = arith.constant 0 : index
    %get3A_6 = arith.constant 0 : index
    %get3A_7 = vector.load %arg0[%get3A_4, %get3A_5, %get3A_6] : memref<2x10112x32xf32, #tpu.memory_space<vmem>>, vector<1x10112x32xf32>
    %get3A_8 = vector.shape_cast %get3A_7 : vector<1x10112x32xf32> to vector<10112x32xf32>
    %get3A_9 = arith.constant 0 : index
    %get3A_10 = arith.constant 0 : index
    %get3A_11 = vector.load %arg1[%get3A_9, %get3A_10] : memref<10112x32xf32, #tpu.memory_space<vmem>>, vector<10112x32xf32>
    %get3A_12 = arith.constant 0 : index
    %get3A_13 = arith.constant 0 : index
    %get3A_14 = vector.load %arg2[%get3A_12, %get3A_13] : memref<1x32xf32, #tpu.memory_space<vmem>>, vector<1x32xf32>
    %get3A_15 = arith.constant 0 : index
    %get3A_16 = arith.constant 0 : index
    %get3A_17 = vector.load %arg3[%get3A_15, %get3A_16] : memref<1x32xf32, #tpu.memory_space<vmem>>, vector<1x32xf32>
    %get3A_18 = arith.constant 0 : index
    %get3A_19 = arith.constant 0 : index
    %get3A_20 = vector.load %arg4[%get3A_18, %get3A_19] : memref<1x32xf32, #tpu.memory_space<vmem>>, vector<1x32xf32>
    %iota3A = tpu.iota {dimensions = array<i32: 0>} : vector<10112x1xi32>
    %lt3A = arith.constant 10000 : i32
    %lt3A_21 = vector.broadcast %lt3A : i32 to vector<10112x1xi32>
    %lt3A_22 = arith.cmpi slt, %iota3A, %lt3A_21 : vector<10112x1xi32>
    %convert_element_type3A = arith.extui %lt3A_22 : vector<10112x1xi1> to vector<10112x1xi32>
    %convert_element_type3A_23 = arith.sitofp %convert_element_type3A : vector<10112x1xi32> to vector<10112x1xf32>
    %add3A = arith.addf %get3A_3, %get3A_8 : vector<10112x32xf32>
    %add3A_24 = arith.addf %add3A, %get3A_11 : vector<10112x32xf32>
    %add3A_25 = vector.broadcast %get3A_14 : vector<1x32xf32> to vector<10112x32xf32>
    %add3A_26 = arith.addf %add3A_24, %add3A_25 : vector<10112x32xf32>
    %max3A = arith.constant 0.000000e+00 : f32
    %max3A_27 = vector.broadcast %max3A : f32 to vector<10112x32xf32>
    %max3A_28 = arith.maximumf %add3A_26, %max3A_27 : vector<10112x32xf32>
    %mul3A = vector.broadcast %convert_element_type3A_23 : vector<10112x1xf32> to vector<10112x32xf32>
    %mul3A_29 = arith.mulf %max3A_28, %mul3A : vector<10112x32xf32>
    %reduce_sum3A = arith.constant dense<0.000000e+00> : vector<32xf32>
    %reduce_sum3A_30 = vector.multi_reduction <add>, %mul3A_29, %reduce_sum3A [0] : vector<10112x32xf32> to vector<32xf32>
    %broadcast_in_dim3A = vector.shape_cast %reduce_sum3A_30 : vector<32xf32> to vector<1x32xf32>
    %mul3A_31 = arith.constant 9.99999974E-5 : f32
    %mul3A_32 = vector.broadcast %mul3A_31 : f32 to vector<1x32xf32>
    %mul3A_33 = arith.mulf %broadcast_in_dim3A, %mul3A_32 : vector<1x32xf32>
    %sub3A = vector.broadcast %mul3A_33 : vector<1x32xf32> to vector<10112x32xf32>
    %sub3A_34 = arith.subf %mul3A_29, %sub3A : vector<10112x32xf32>
    %mul3A_35 = vector.broadcast %convert_element_type3A_23 : vector<10112x1xf32> to vector<10112x32xf32>
    %mul3A_36 = arith.mulf %sub3A_34, %mul3A_35 : vector<10112x32xf32>
    %mul3A_37 = arith.mulf %mul3A_36, %mul3A_36 : vector<10112x32xf32>
    %reduce_sum3A_38 = arith.constant dense<0.000000e+00> : vector<32xf32>
    %reduce_sum3A_39 = vector.multi_reduction <add>, %mul3A_37, %reduce_sum3A_38 [0] : vector<10112x32xf32> to vector<32xf32>
    %broadcast_in_dim3A_40 = vector.shape_cast %reduce_sum3A_39 : vector<32xf32> to vector<1x32xf32>
    %mul3A_41 = arith.constant 9.99999974E-5 : f32
    %mul3A_42 = vector.broadcast %mul3A_41 : f32 to vector<1x32xf32>
    %mul3A_43 = arith.mulf %broadcast_in_dim3A_40, %mul3A_42 : vector<1x32xf32>
    %add3A_44 = arith.constant 9.99999974E-6 : f32
    %add3A_45 = vector.broadcast %add3A_44 : f32 to vector<1x32xf32>
    %add3A_46 = arith.addf %mul3A_43, %add3A_45 : vector<1x32xf32>
    %rsqrt3A = math.rsqrt %add3A_46 : vector<1x32xf32>
    %mul3A_47 = vector.broadcast %rsqrt3A : vector<1x32xf32> to vector<10112x32xf32>
    %mul3A_48 = arith.mulf %mul3A_36, %mul3A_47 : vector<10112x32xf32>
    %mul3A_49 = vector.broadcast %get3A_17 : vector<1x32xf32> to vector<10112x32xf32>
    %mul3A_50 = arith.mulf %mul3A_48, %mul3A_49 : vector<10112x32xf32>
    %add3A_51 = vector.broadcast %get3A_20 : vector<1x32xf32> to vector<10112x32xf32>
    %add3A_52 = arith.addf %mul3A_50, %add3A_51 : vector<10112x32xf32>
    %get3A_53 = arith.constant 0 : index
    %get3A_54 = arith.constant 0 : index
    %get3A_55 = vector.load %arg5[%get3A_53, %get3A_54] : memref<32x32xf32, #tpu.memory_space<vmem>>, vector<32x32xf32>
    %dot_general3A = arith.constant dense<0.000000e+00> : vector<10112x32xf32>
    %dot_general3A_56 = tpu.matmul %add3A_52, %get3A_55, %dot_general3A {dimension_numbers = #tpu.dot_dimension_numbers<[1], [0], [0], [1], [0, 0, 1, 1], [], []>, transpose_lhs_hint = false} : vector<10112x32xf32>, vector<32x32xf32>, vector<10112x32xf32> -> vector<10112x32xf32>
    %swap3A = arith.constant 0 : index
    %swap3A_57 = arith.constant 0 : index
    %swap3A_58 = vector.load %arg7[%swap3A, %swap3A_57] : memref<10112x32xf32, #tpu.memory_space<vmem>>, vector<10112x32xf32>
    tpu.vector_store %arg7[%swap3A, %swap3A_57], %dot_general3A_56 {strides = array<i32>} : memref<10112x32xf32, #tpu.memory_space<vmem>>, vector<10112x32xf32>,
    %get3A_59 = arith.constant 0 : index
    %get3A_60 = arith.constant 0 : index
    %get3A_61 = vector.load %arg6[%get3A_59, %get3A_60] : memref<32x32xf32, #tpu.memory_space<vmem>>, vector<32x32xf32>
    %dot_general3A_62 = arith.constant dense<0.000000e+00> : vector<10112x32xf32>
    %dot_general3A_63 = tpu.matmul %add3A_52, %get3A_61, %dot_general3A_62 {dimension_numbers = #tpu.dot_dimension_numbers<[1], [0], [0], [1], [0, 0, 1, 1], [], []>, transpose_lhs_hint = false} : vector<10112x32xf32>, vector<32x32xf32>, vector<10112x32xf32> -> vector<10112x32xf32>
    %swap3A_64 = arith.constant 0 : index
    %swap3A_65 = arith.constant 0 : index
    %swap3A_66 = vector.load %arg8[%swap3A_64, %swap3A_65] : memref<10112x32xf32, #tpu.memory_space<vmem>>, vector<10112x32xf32>
    tpu.vector_store %arg8[%swap3A_64, %swap3A_65], %dot_general3A_63 {strides = array<i32>} : memref<10112x32xf32, #tpu.memory_space<vmem>>, vector<10112x32xf32>,
    return
  }
}

module attributes {stable_mosaic.version = 14 : i64} {
  func.func @body(%arg0: memref<2x10112x32xf32, #tpu.memory_space<vmem>>, %arg1: memref<10112x32xf32, #tpu.memory_space<vmem>>, %arg2: memref<1x32xf32, #tpu.memory_space<vmem>>, %arg3: memref<1x32xf32, #tpu.memory_space<vmem>>, %arg4: memref<1x32xf32, #tpu.memory_space<vmem>>, %arg5: memref<10112x1xi32, #tpu.memory_space<vmem>>, %arg6: memref<1x10112xi32, #tpu.memory_space<vmem>>, %arg7: memref<40x10xf32, #tpu.memory_space<vmem>>, %arg8: memref<1x10xf32, #tpu.memory_space<vmem>>, %arg9: memref<10x1xf32, #tpu.memory_space<vmem>>, %arg10: memref<1x1xf32, #tpu.memory_space<vmem>>, %arg11: memref<64x1xf32, #tpu.memory_space<vmem>>) attributes {dimension_semantics = [], scalar_prefetch = 0 : i64, scratch_operands = 0 : i64, tpu.core_type = #tpu.core_type<tc>} {
    %get3A = arith.constant 0 : index
    %get3A_0 = arith.constant 0 : index
    %get3A_1 = arith.constant 0 : index
    %get3A_2 = vector.load %arg0[%get3A, %get3A_0, %get3A_1] : memref<2x10112x32xf32, #tpu.memory_space<vmem>>, vector<1x10112x32xf32>
    %get3A_3 = vector.shape_cast %get3A_2 : vector<1x10112x32xf32> to vector<10112x32xf32>
    %get3A_4 = arith.constant 1 : index
    %get3A_5 = arith.constant 0 : index
    %get3A_6 = arith.constant 0 : index
    %get3A_7 = vector.load %arg0[%get3A_4, %get3A_5, %get3A_6] : memref<2x10112x32xf32, #tpu.memory_space<vmem>>, vector<1x10112x32xf32>
    %get3A_8 = vector.shape_cast %get3A_7 : vector<1x10112x32xf32> to vector<10112x32xf32>
    %get3A_9 = arith.constant 0 : index
    %get3A_10 = arith.constant 0 : index
    %get3A_11 = vector.load %arg1[%get3A_9, %get3A_10] : memref<10112x32xf32, #tpu.memory_space<vmem>>, vector<10112x32xf32>
    %get3A_12 = arith.constant 0 : index
    %get3A_13 = arith.constant 0 : index
    %get3A_14 = vector.load %arg2[%get3A_12, %get3A_13] : memref<1x32xf32, #tpu.memory_space<vmem>>, vector<1x32xf32>
    %get3A_15 = arith.constant 0 : index
    %get3A_16 = arith.constant 0 : index
    %get3A_17 = vector.load %arg3[%get3A_15, %get3A_16] : memref<1x32xf32, #tpu.memory_space<vmem>>, vector<1x32xf32>
    %get3A_18 = arith.constant 0 : index
    %get3A_19 = arith.constant 0 : index
    %get3A_20 = vector.load %arg4[%get3A_18, %get3A_19] : memref<1x32xf32, #tpu.memory_space<vmem>>, vector<1x32xf32>
    %iota3A = tpu.iota {dimensions = array<i32: 0>} : vector<10112x1xi32>
    %lt3A = arith.constant 10000 : i32
    %lt3A_21 = vector.broadcast %lt3A : i32 to vector<10112x1xi32>
    %lt3A_22 = arith.cmpi slt, %iota3A, %lt3A_21 : vector<10112x1xi32>
    %convert_element_type3A = arith.extui %lt3A_22 : vector<10112x1xi1> to vector<10112x1xi32>
    %convert_element_type3A_23 = arith.sitofp %convert_element_type3A : vector<10112x1xi32> to vector<10112x1xf32>
    %add3A = arith.addf %get3A_3, %get3A_8 : vector<10112x32xf32>
    %add3A_24 = arith.addf %add3A, %get3A_11 : vector<10112x32xf32>
    %add3A_25 = vector.broadcast %get3A_14 : vector<1x32xf32> to vector<10112x32xf32>
    %add3A_26 = arith.addf %add3A_24, %add3A_25 : vector<10112x32xf32>
    %max3A = arith.constant 0.000000e+00 : f32
    %max3A_27 = vector.broadcast %max3A : f32 to vector<10112x32xf32>
    %max3A_28 = arith.maximumf %add3A_26, %max3A_27 : vector<10112x32xf32>
    %mul3A = vector.broadcast %convert_element_type3A_23 : vector<10112x1xf32> to vector<10112x32xf32>
    %mul3A_29 = arith.mulf %max3A_28, %mul3A : vector<10112x32xf32>
    %reduce_sum3A = arith.constant dense<0.000000e+00> : vector<32xf32>
    %reduce_sum3A_30 = vector.multi_reduction <add>, %mul3A_29, %reduce_sum3A [0] : vector<10112x32xf32> to vector<32xf32>
    %broadcast_in_dim3A = vector.shape_cast %reduce_sum3A_30 : vector<32xf32> to vector<1x32xf32>
    %mul3A_31 = arith.constant 9.99999974E-5 : f32
    %mul3A_32 = vector.broadcast %mul3A_31 : f32 to vector<1x32xf32>
    %mul3A_33 = arith.mulf %broadcast_in_dim3A, %mul3A_32 : vector<1x32xf32>
    %sub3A = vector.broadcast %mul3A_33 : vector<1x32xf32> to vector<10112x32xf32>
    %sub3A_34 = arith.subf %mul3A_29, %sub3A : vector<10112x32xf32>
    %mul3A_35 = vector.broadcast %convert_element_type3A_23 : vector<10112x1xf32> to vector<10112x32xf32>
    %mul3A_36 = arith.mulf %sub3A_34, %mul3A_35 : vector<10112x32xf32>
    %mul3A_37 = arith.mulf %mul3A_36, %mul3A_36 : vector<10112x32xf32>
    %reduce_sum3A_38 = arith.constant dense<0.000000e+00> : vector<32xf32>
    %reduce_sum3A_39 = vector.multi_reduction <add>, %mul3A_37, %reduce_sum3A_38 [0] : vector<10112x32xf32> to vector<32xf32>
    %broadcast_in_dim3A_40 = vector.shape_cast %reduce_sum3A_39 : vector<32xf32> to vector<1x32xf32>
    %mul3A_41 = arith.constant 9.99999974E-5 : f32
    %mul3A_42 = vector.broadcast %mul3A_41 : f32 to vector<1x32xf32>
    %mul3A_43 = arith.mulf %broadcast_in_dim3A_40, %mul3A_42 : vector<1x32xf32>
    %add3A_44 = arith.constant 9.99999974E-6 : f32
    %add3A_45 = vector.broadcast %add3A_44 : f32 to vector<1x32xf32>
    %add3A_46 = arith.addf %mul3A_43, %add3A_45 : vector<1x32xf32>
    %rsqrt3A = math.rsqrt %add3A_46 : vector<1x32xf32>
    %mul3A_47 = vector.broadcast %rsqrt3A : vector<1x32xf32> to vector<10112x32xf32>
    %mul3A_48 = arith.mulf %mul3A_36, %mul3A_47 : vector<10112x32xf32>
    %mul3A_49 = vector.broadcast %get3A_17 : vector<1x32xf32> to vector<10112x32xf32>
    %mul3A_50 = arith.mulf %mul3A_48, %mul3A_49 : vector<10112x32xf32>
    %add3A_51 = vector.broadcast %get3A_20 : vector<1x32xf32> to vector<10112x32xf32>
    %add3A_52 = arith.addf %mul3A_50, %add3A_51 : vector<10112x32xf32>
    %get3A_53 = arith.constant 0 : index
    %get3A_54 = arith.constant 0 : index
    %get3A_55 = vector.load %arg5[%get3A_53, %get3A_54] : memref<10112x1xi32, #tpu.memory_space<vmem>>, vector<10112x1xi32>
    %get3A_56 = arith.constant 0 : index
    %get3A_57 = arith.constant 0 : index
    %get3A_58 = vector.load %arg6[%get3A_56, %get3A_57] : memref<1x10112xi32, #tpu.memory_space<vmem>>, vector<1x10112xi32>
    %get3A_59 = arith.constant 0 : index
    %get3A_60 = arith.constant 0 : index
    %get3A_61 = vector.load %arg7[%get3A_59, %get3A_60] : memref<40x10xf32, #tpu.memory_space<vmem>>, vector<40x10xf32>
    %get3A_62 = arith.constant 0 : index
    %get3A_63 = arith.constant 0 : index
    %get3A_64 = vector.load %arg8[%get3A_62, %get3A_63] : memref<1x10xf32, #tpu.memory_space<vmem>>, vector<1x10xf32>
    %get3A_65 = arith.constant 0 : index
    %get3A_66 = arith.constant 0 : index
    %get3A_67 = vector.load %arg9[%get3A_65, %get3A_66] : memref<10x1xf32, #tpu.memory_space<vmem>>, vector<10x1xf32>
    %get3A_68 = arith.constant 0 : index
    %get3A_69 = arith.constant 0 : index
    %get3A_70 = vector.load %arg10[%get3A_68, %get3A_69] : memref<1x1xf32, #tpu.memory_space<vmem>>, vector<1x1xf32>
    %iota3A_71 = tpu.iota {dimensions = array<i32: 1>} : vector<1x64xi32>
    %eq3A = vector.broadcast %get3A_55 : vector<10112x1xi32> to vector<10112x64xi32>
    %eq3A_72 = vector.broadcast %iota3A_71 : vector<1x64xi32> to vector<10112x64xi32>
    %eq3A_73 = arith.cmpi eq, %eq3A, %eq3A_72 : vector<10112x64xi32>
    %convert_element_type3A_74 = arith.extui %eq3A_73 : vector<10112x64xi1> to vector<10112x64xi32>
    %convert_element_type3A_75 = arith.sitofp %convert_element_type3A_74 : vector<10112x64xi32> to vector<10112x64xf32>
    %dot_general3A = arith.constant dense<0.000000e+00> : vector<64x32xf32>
    %dot_general3A_76 = tpu.matmul %convert_element_type3A_75, %add3A_52, %dot_general3A {dimension_numbers = #tpu.dot_dimension_numbers<[0], [0], [1], [1], [0, 1, 1, 1], [], []>, transpose_lhs_hint = false} : vector<10112x64xf32>, vector<10112x32xf32>, vector<64x32xf32> -> vector<64x32xf32>
    %iota3A_77 = tpu.iota {dimensions = array<i32: 0>} : vector<64x1xi32>
    %eq3A_78 = vector.broadcast %get3A_58 : vector<1x10112xi32> to vector<64x10112xi32>
    %eq3A_79 = vector.broadcast %iota3A_77 : vector<64x1xi32> to vector<64x10112xi32>
    %eq3A_80 = arith.cmpi eq, %eq3A_78, %eq3A_79 : vector<64x10112xi32>
    %jit3A = arith.constant 0.000000e+00 : f32
    %jit3A_81 = arith.constant -1.000000e+30 : f32
    %broadcast_in_dim3A_82 = vector.broadcast %jit3A : f32 to vector<64x10112xf32>
    %broadcast_in_dim3A_83 = vector.broadcast %jit3A_81 : f32 to vector<64x10112xf32>
    %select_n3A = arith.select %eq3A_80, %broadcast_in_dim3A_82, %broadcast_in_dim3A_83 : vector<64x10112xi1>, vector<64x10112xf32>
    %eq3A_84 = arith.constant 0.000000e+00 : f32
    %eq3A_85 = vector.broadcast %eq3A_84 : f32 to vector<64x10112xf32>
    %eq3A_86 = arith.cmpf oeq, %select_n3A, %eq3A_85 : vector<64x10112xf32>
    %jit3A_87 = arith.constant 1.000000e+00 : f32
    %jit3A_88 = arith.constant 0.000000e+00 : f32
    %broadcast_in_dim3A_89 = vector.broadcast %jit3A_87 : f32 to vector<64x10112xf32>
    %broadcast_in_dim3A_90 = vector.broadcast %jit3A_88 : f32 to vector<64x10112xf32>
    %select_n3A_91 = arith.select %eq3A_86, %broadcast_in_dim3A_89, %broadcast_in_dim3A_90 : vector<64x10112xi1>, vector<64x10112xf32>
    %reduce_sum3A_92 = arith.constant dense<0.000000e+00> : vector<64xf32>
    %reduce_sum3A_93 = vector.multi_reduction <add>, %select_n3A_91, %reduce_sum3A_92 [1] : vector<64x10112xf32> to vector<64xf32>
    %broadcast_in_dim3A_94 = vector.shape_cast %reduce_sum3A_93 : vector<64xf32> to vector<64x1xf32>
    %transpose3A = tpu.transpose %add3A_52, [1, 0] : vector<10112x32xf32> -> vector<32x10112xf32>
    %iota3A_95 = tpu.iota {dimensions = array<i32: 0>} : vector<32x1xi32>
    %iota3A_96 = tpu.iota {dimensions = array<i32: 1>} : vector<1x32xi32>
    %broadcast_in_dim3A_97 = arith.constant 0.000000e+00 : f32
    %broadcast_in_dim3A_98 = vector.broadcast %broadcast_in_dim3A_97 : f32 to vector<64x32xf32>
    %scan3A = arith.constant 0 : i32
    %scan3A_99 = arith.constant 20 : i32
    %scan3A_100 = arith.addi %scan3A, %scan3A_99 : i32
    %scan3A_101 = arith.constant 1 : i32
    %scan3A_102 = scf.for %scan3A_137 = %scan3A to %scan3A_100 step %scan3A_101 iter_args(%scan3A_138 = %broadcast_in_dim3A_98) -> (vector<64x32xf32>)  : i32 {
      %eq3A_139 = vector.broadcast %scan3A_137 : i32 to vector<32x1xi32>
      %eq3A_140 = arith.cmpi eq, %iota3A_95, %eq3A_139 : vector<32x1xi32>
      %jit3A_141 = arith.constant 0.000000e+00 : f32
      %broadcast_in_dim3A_142 = vector.shape_cast %eq3A_140 : vector<32x1xi1> to vector<32x1xi1>
      %broadcast_in_dim3A_143 = vector.broadcast %broadcast_in_dim3A_142 : vector<32x1xi1> to vector<32x10112xi1>
      %broadcast_in_dim3A_144 = vector.broadcast %jit3A_141 : f32 to vector<32x10112xf32>
      %select_n3A_145 = arith.select %broadcast_in_dim3A_143, %transpose3A, %broadcast_in_dim3A_144 : vector<32x10112xi1>, vector<32x10112xf32>
      %reduce_sum3A_146 = arith.constant dense<0.000000e+00> : vector<10112xf32>
      %reduce_sum3A_147 = vector.multi_reduction <add>, %select_n3A_145, %reduce_sum3A_146 [0] : vector<32x10112xf32> to vector<10112xf32>
      %broadcast_in_dim3A_148 = vector.shape_cast %reduce_sum3A_147 : vector<10112xf32> to vector<1x10112xf32>
      %add3A_149 = vector.broadcast %broadcast_in_dim3A_148 : vector<1x10112xf32> to vector<64x10112xf32>
      %add3A_150 = arith.addf %select_n3A, %add3A_149 : vector<64x10112xf32>
      %reduce_max3A = arith.constant dense<0xFF800000> : vector<64xf32>
      %reduce_max3A_151 = vector.multi_reduction <maximumf>, %add3A_150, %reduce_max3A [1] : vector<64x10112xf32> to vector<64xf32>
      %broadcast_in_dim3A_152 = vector.shape_cast %reduce_max3A_151 : vector<64xf32> to vector<64x1xf32>
      %eq3A_153 = vector.broadcast %scan3A_137 : i32 to vector<1x32xi32>
      %eq3A_154 = arith.cmpi eq, %iota3A_96, %eq3A_153 : vector<1x32xi32>
      %broadcast_in_dim3A_155 = vector.shape_cast %eq3A_154 : vector<1x32xi1> to vector<1x32xi1>
      %broadcast_in_dim3A_156 = vector.broadcast %broadcast_in_dim3A_155 : vector<1x32xi1> to vector<64x32xi1>
      %broadcast_in_dim3A_157 = vector.shape_cast %broadcast_in_dim3A_152 : vector<64x1xf32> to vector<64x1xf32>
      %broadcast_in_dim3A_158 = vector.broadcast %broadcast_in_dim3A_157 : vector<64x1xf32> to vector<64x32xf32>
      %select_n3A_159 = arith.select %broadcast_in_dim3A_156, %broadcast_in_dim3A_158, %scan3A_138 : vector<64x32xi1>, vector<64x32xf32>
      scf.yield %select_n3A_159 : vector<64x32xf32>
    }
    %scan3A_103 = arith.constant 20 : i32
    %gt3A = arith.constant 0.000000e+00 : f32
    %gt3A_104 = vector.broadcast %gt3A : f32 to vector<64x1xf32>
    %gt3A_105 = arith.cmpf ogt, %broadcast_in_dim3A_94, %gt3A_104 : vector<64x1xf32>
    %jit3A_106 = arith.constant 0.000000e+00 : f32
    %broadcast_in_dim3A_107 = vector.shape_cast %gt3A_105 : vector<64x1xi1> to vector<64x1xi1>
    %broadcast_in_dim3A_108 = vector.broadcast %broadcast_in_dim3A_107 : vector<64x1xi1> to vector<64x32xi1>
    %broadcast_in_dim3A_109 = vector.broadcast %jit3A_106 : f32 to vector<64x32xf32>
    %select_n3A_110 = arith.select %broadcast_in_dim3A_108, %scan3A_102, %broadcast_in_dim3A_109 : vector<64x32xi1>, vector<64x32xf32>
    %max3A_111 = arith.constant 1.000000e+00 : f32
    %max3A_112 = vector.broadcast %max3A_111 : f32 to vector<64x1xf32>
    %max3A_113 = arith.maximumf %broadcast_in_dim3A_94, %max3A_112 : vector<64x1xf32>
    %div3A = vector.broadcast %max3A_113 : vector<64x1xf32> to vector<64x32xf32>
    %div3A_114 = arith.divf %dot_general3A_76, %div3A : vector<64x32xf32>
    %slice3A = vector.extract_strided_slice %select_n3A_110 {offsets = [0, 0], sizes = [64, 20], strides = [1, 1]} : vector<64x32xf32> to vector<64x20xf32>
    %slice3A_115 = vector.extract_strided_slice %div3A_114 {offsets = [0, 0], sizes = [64, 20], strides = [1, 1]} : vector<64x32xf32> to vector<64x20xf32>
    %concatenate3A = tpu.concatenate %slice3A, %slice3A_115 in 1 : vector<64x20xf32>, vector<64x20xf32> -> vector<64x40xf32>
    %dot_general3A_116 = arith.constant dense<0.000000e+00> : vector<64x10xf32>
    %dot_general3A_117 = tpu.matmul %concatenate3A, %get3A_61, %dot_general3A_116 {dimension_numbers = #tpu.dot_dimension_numbers<[1], [0], [0], [1], [0, 0, 1, 1], [], []>, transpose_lhs_hint = false} : vector<64x40xf32>, vector<40x10xf32>, vector<64x10xf32> -> vector<64x10xf32>
    %add3A_118 = vector.broadcast %get3A_64 : vector<1x10xf32> to vector<64x10xf32>
    %add3A_119 = arith.addf %dot_general3A_117, %add3A_118 : vector<64x10xf32>
    %max3A_120 = arith.constant 0.000000e+00 : f32
    %max3A_121 = vector.broadcast %max3A_120 : f32 to vector<64x10xf32>
    %max3A_122 = arith.maximumf %add3A_119, %max3A_121 : vector<64x10xf32>
    %dot_general3A_123 = arith.constant dense<0.000000e+00> : vector<64x1xf32>
    %dot_general3A_124 = tpu.matmul %max3A_122, %get3A_67, %dot_general3A_123 {dimension_numbers = #tpu.dot_dimension_numbers<[1], [0], [0], [1], [0, 0, 1, 1], [], []>, transpose_lhs_hint = false} : vector<64x10xf32>, vector<10x1xf32>, vector<64x1xf32> -> vector<64x1xf32>
    %add3A_125 = vector.broadcast %get3A_70 : vector<1x1xf32> to vector<64x1xf32>
    %add3A_126 = arith.addf %dot_general3A_124, %add3A_125 : vector<64x1xf32>
    %neg3A = arith.constant 0.000000e+00 : f32
    %neg3A_127 = vector.broadcast %neg3A : f32 to vector<64x1xf32>
    %neg3A_128 = arith.subf %neg3A_127, %add3A_126 : vector<64x1xf32>
    %exp3A = math.exp %neg3A_128 : vector<64x1xf32>
    %add3A_129 = arith.constant 1.000000e+00 : f32
    %add3A_130 = vector.broadcast %add3A_129 : f32 to vector<64x1xf32>
    %add3A_131 = arith.addf %add3A_130, %exp3A : vector<64x1xf32>
    %div3A_132 = arith.constant 1.000000e+00 : f32
    %div3A_133 = vector.broadcast %div3A_132 : f32 to vector<64x1xf32>
    %div3A_134 = arith.divf %div3A_133, %add3A_131 : vector<64x1xf32>
    %swap3A = arith.constant 0 : index
    %swap3A_135 = arith.constant 0 : index
    %swap3A_136 = vector.load %arg11[%swap3A, %swap3A_135] : memref<64x1xf32, #tpu.memory_space<vmem>>, vector<64x1xf32>
    tpu.vector_store %arg11[%swap3A, %swap3A_135], %div3A_134 {strides = array<i32>} : memref<64x1xf32, #tpu.memory_space<vmem>>, vector<64x1xf32>,
    return
  }
}

</mosaic_0001>

<sc_bundles>
// kernel: kernel.10.cloned.1.call-start
scs
__scs_entry_jumppad:
0x0: {  	(pc) =	sbr.rel $0x88, $3  }
0x1: {  	(tag) =	ssettag $0x0;
	lr =	simm.s32 $0x1  }
0x2: {  	[smem:$0x3F90] =	sst lr;
	_ =	strace $0xD0000000  }
0x3: {  	_ = 	snop  }
0x4: {  	_ = 	snop  }
0x5: {  	_ = 	snop  }
0x6: {  	_ = 	snop  }
0x7: {  	_ = 	snop  }
__scs_overlays_trampoline_lowered:
0x8: {  	[smem:$0x3F9F] =	sst s0  }
0x9: {  	[smem:$0x3FA0] =	sst s1  }
0xa: {  	[smem:$0x3FA1] =	sst s2  }
0xb: {  	[smem:$0x3FA2] =	sst s3  }
0xc: {  	[smem:$0x3FA3] =	sst s4  }
0xd: {  	[smem:$0x3FA4] =	sst s5  }
0xe: {  	[smem:$0x3FA5] =	sst s6  }
0xf: {  	[smem:$0x3FA6] =	sst s7  }
0x10: {  	[smem:$0x3FA7] =	sst s8  }
0x11: {  	[smem:$0x3FA8] =	sst s9;
	s0 =	simm.s32 @!p0 $0x0  }
0x12: {  	s1 =	sld [smem:$0x3F8E];
	s0 =	simm.s32 @p0 $0x1  }
0x13: {  	[smem:$0x3FA9] =	sst s0;
	s0 =	simm.s32 @!p1 $0x0  }
0x14: {  	s2 =	sld [smem:$0x3F8D];
	s0 =	simm.s32 @p1 $0x1  }
0x15: {  	[smem:$0x3FAA] =	sst s0;
	s0 =	simm.s32 @!p2 $0x0  }
0x16: {  	s3 =	sld [smem:$0x3FDB];
	s0 =	simm.s32 @p2 $0x1  }
0x17: {  	s4 =	simm.s32 $0x1BF5;
	[smem:$0x3FAC] =	sst s0  }
0x18: {  	s0 =	sld [smem:$0x3F8F];
	_ =	swait.ge [sflag:s4], $0x0  }
0x19: {  	s7 =	sld [smem:$0x3F90]  }
0x1a: {  	s8 =	sadd.s32 $0xFFFFE003, lr  }
0x1b: {  	s9 =	sadd.s32 $0xFFFFFEF7, lr;
	s5 =	simm.s32 $0xFFFFFFFF;
	p2 =	slt.u32 s8, $0xFFFFF086  }
0x1c: {  	p1 =	slt.u32 s9, $0xF7A;
	s5 =	simm.s32 @!p2 $0x0  }
0x1d: {  	s5 =	simm.s32 @p1 $0x1;
	p0 =	seq.s32 s7, s2  }
0x1e: {  	s7 =	smul.u32 @!p0 $0xF7A, s2;
	p2 =	seq.s32 @!p0 s5, $0x0  }
0x1f: {  	s9 =	smul.u32 $0xF7A, s1;
	s8 =	simm.s32 @!p0 $0x1BF5;
	p2 =	por !p2, p0  }
0x20: {  	[sflag:s8] =	ssyncset.s32 @!p0 $0xFFFFF086;
	s6 =	sadd.s32 @!p0 s3, s7;
	s7 =	simm.s32 @!p0 $0x108  }
0x21: {  	s3 =	sadd.s32 s3, s9;
	s6 =	sadd.s32 @!p0 $0x88, s6;
	s7 =	simm.s32 @p2 $0x1082  }
0x22: {  	[simem:s7], [sflag:s8] =	dma.local @!p0 [hbm:s6], $0xF7A  }
0x23: {  	s9 =	sor.u32 $0xD0000000, s2;
	s6 =	simm.s32 $0x108;
	_ =	swait.ge @!p0 [sflag:s8], $0x0  }
0x24: {  	s3 =	sadd.s32 $0x88, s3;
	s6 =	simm.s32 @!p1 $0x1082;
	[sflag:s4] =	ssyncset.s32 $0xFFFFF086  }
0x25: {  	[simem:s6], [sflag:s4] =	dma.local [hbm:s3], $0xF7A  }
0x26: {  	[smem:$0x3F90] =	sst s1;
	(tag) =	ssettag s2;
	_ =	strace s9  }
0x27: {  	s1 =	sld [smem:$0x3FA0]  }
0x28: {  	s2 =	sld [smem:$0x3FA1]  }
0x29: {  	s4 =	sld [smem:$0x3FA3]  }
0x2a: {  	p0 =	seq.s32 s5, $0x0;
	s5 =	sld [smem:$0x3FA4]  }
0x2b: {  	s6 =	sld [smem:$0x3FA5]  }
0x2c: {  	s7 =	sld [smem:$0x3FA6]  }
0x2d: {  	s3 =	simm.s32 $0x108;
	s8 =	sld [smem:$0x3FA7]  }
0x2e: {  	s3 =	simm.s32 @!p0 $0x1082;
	s9 =	sld [smem:$0x3FA8]  }
0x2f: {  	lr =	sadd.s32 s0, s3;
	s0 =	sld [smem:$0x3F9F]  }
0x30: {  	s3 =	sld [smem:$0x3FA2]  }
0x31: {  	[smem:$0x3FAB] =	sst s10  }
0x32: {  	s10 =	sld [smem:$0x3FA9];
	_ =	sdelay $0x3  }
0x33: {  	p0 =	seq.s32 s10, $0x1;
	s10 =	sld [smem:$0x3FAB];
	_ =	sdelay $0x3  }
0x34: {  	[smem:$0x3FAB] =	sst s10  }
0x35: {  	s10 =	sld [smem:$0x3FAA];
	_ =	sdelay $0x3  }
0x36: {  	p1 =	seq.s32 s10, $0x1;
	s10 =	sld [smem:$0x3FAB];
	_ =	sdelay $0x3  }
0x37: {  	[smem:$0x3FAB] =	sst s10  }
0x38: {  	s10 =	sld [smem:$0x3FAC]  }
0x39: {  	_ = 	snop;
	(pc) =	sbr.ind lr, $3  }
0x3a: {  	_ = 	snop  }
0x3b: {  	_ = 	snop  }
0x3c: {  	p2 =	seq.s32 s10, $0x1;
	s10 =	sld [smem:$0x3FAB]  }
0x3d: {  	_ =	shalt  }
0x3e: {  	_ =	shalt  }
0x3f: {  	_ =	shalt  }
0x40: {  	_ =	shalt  }
0x41: {  	_ =	shalt  }
0x42: {  	_ =	shalt  }
0x43: {  	_ =	shalt  }
0x44: {  	_ =	shalt  }
0x45: {  	_ =	shalt  }
0x46: {  	_ =	shalt  }
0x47: {  	_ =	shalt  }
0x48: {  	_ =	shalt  }
0x49: {  	_ =	shalt  }
0x4a: {  	_ =	shalt  }
0x4b: {  	_ =	shalt  }
0x4c: {  	_ =	shalt  }
0x4d: {  	_ =	shalt  }
0x4e: {  	_ =	shalt  }
0x4f: {  	_ =	shalt  }
0x50: {  	_ =	shalt  }
0x51: {  	_ =	shalt  }
0x52: {  	_ =	shalt  }
0x53: {  	_ =	shalt  }
0x54: {  	_ =	shalt  }
0x55: {  	_ =	shalt  }
0x56: {  	_ =	shalt  }
0x57: {  	_ =	shalt  }
0x58: {  	_ =	shalt  }
0x59: {  	_ =	shalt  }
0x5a: {  	_ =	shalt  }
0x5b: {  	_ =	shalt  }
0x5c: {  	_ =	shalt  }
0x5d: {  	_ =	shalt  }
0x5e: {  	_ =	shalt  }
0x5f: {  	_ =	shalt  }
0x60: {  	_ =	shalt  }
0x61: {  	_ =	shalt  }
0x62: {  	_ =	shalt  }
0x63: {  	_ =	shalt  }
0x64: {  	_ =	shalt  }
0x65: {  	_ =	shalt  }
0x66: {  	_ =	shalt  }
0x67: {  	_ =	shalt  }
0x68: {  	_ =	shalt  }
0x69: {  	_ =	shalt  }
0x6a: {  	_ =	shalt  }
0x6b: {  	_ =	shalt  }
0x6c: {  	_ =	shalt  }
0x6d: {  	_ =	shalt  }
0x6e: {  	_ =	shalt  }
0x6f: {  	_ =	shalt  }
0x70: {  	_ =	shalt  }
0x71: {  	_ =	shalt  }
0x72: {  	_ =	shalt  }
0x73: {  	_ =	shalt  }
0x74: {  	_ =	shalt  }
0x75: {  	_ =	shalt  }
0x76: {  	_ =	shalt  }
0x77: {  	_ =	shalt  }
0x78: {  	_ =	shalt  }
0x79: {  	_ =	shalt  }
0x7a: {  	_ =	shalt  }
0x7b: {  	_ =	shalt  }
0x7c: {  	_ =	shalt  }
0x7d: {  	_ =	shalt  }
0x7e: {  	_ =	shalt  }
0x7f: {  	_ =	shalt  }
0x80: {  	_ =	shalt  }
0x81: {  	_ =	shalt  }
0x82: {  	_ =	shalt  }
0x83: {  	_ =	shalt  }
0x84: {  	_ =	shalt  }
0x85: {  	_ =	shalt  }
0x86: {  	_ =	shalt  }
0x87: {  	_ =	shalt  }
.Lfunc_end0:
.L_simem_size_0:
called_computation.1_lowered:
.L_overlay_start_0:
0x88: {  	s2 =	sld [smem:$0x3FD9]  }
0x89: {  	s3 =	sld [smem:$0x3FFE];
	_ =	sdelay $0x1  }
0x8a: {  	s1 =	srdreg.scid  }
0x8b: {  	s0 =	sand.u32 $0x1, s1  }
0x8c: {  	s16 =	sshll.u32 s0, $0xA;
	s2 =	sadd.s32 s3, s2  }
0x8d: {  	s2 =	sadd.s32 s2, s16  }
0x8e: {  	[smem:$0x3FB7] =	sst s2  }
0x8f: {  	_ = 	snop  }
0x90: {  	(tm) =	ssettm $0x1  }
0x91: {  	s17 =	sld [smem:$0x3FFB];
	_ =	sdelay $0x3  }
0x92: {  	_ =	strace s17  }
0x93: {  	s2 =	sld [smem:$0x3FFC];
	_ =	sdelay $0x3  }
0x94: {  	_ =	strace s2  }
0x95: {  	s2 =	sld [smem:$0x3FFD];
	_ =	sdelay $0x3  }
0x96: {  	_ =	strace s2  }
0x97: {  	_ =	strace $0x8FFFFFFF  }
0x98: {  	s18 =	sld [smem:$0x3FDB];
	_ =	sdelay $0x1  }
0x99: {  	s19 =	simm.s32 $_scs_section_size  }
0x9a: {  	s4 =	simm.s32 $_size__tile_overlayer_lowered;
	s5 =	simm.s32 $_tile_overlayer_lowered  }
0x9b: {  	s22 =	simm.s32 $0x1BFF;
	s21 =	sshll.u32 s5, $0x1;
	s2 =	sadd.s32 s19, s18  }
0x9c: {  	s6 =	simm.s32 $0x0;
	s20 =	sshll.u32 s4, $0x1;
	s4 =	sadd.s32 s21, s2  }
0x9d: {  	[timem:s6], [sflag:s22] =	dma.local [hbm:s4], s20  }
0x9e: {  	_ =	swait.ge [sflag:s22], s20  }
0x9f: {  	s3 =	ssub.s32 $0x0, s20;
	[sflag:s22] =	ssyncset.done $0x0  }
0xa0: {  	[sflag:s22] =	ssyncadd.s32 s3;
	_ =	sdelay $0x1  }
0xa1: {  	s23 =	simm.s32 $0x1B8B  }
0xa2: {  	_ =	swait.ge [sflag:s23], $0x1  }
0xa3: {  	[sflag:s23] =	ssyncset.done $0x0  }
0xa4: {  	s25 =	simm.s32 $0x1B8E;
	s24 =	sld [smem:$0x3FFE];
	[sflag:s23] =	ssyncadd.s32 $0xFFFFFFFF  }
0xa5: {  	s26 =	simm.s32 $execute0_lowered;
	[smem:$0x3FD2] =	sst s25  }
0xa6: {  	s4 =	sshll.u32 s26, $0x1;
	_ =	strace $0x80000049;
	[dreg:$0x1] =	wrdreg $0xFFFFFFFF  }
0xa7: {  	s28 =	simm.s32 $_size_execute0_lowered;
	s2 =	sadd.s32 s2, s4;
	[dreg:$0x0] =	wrdreg $0x0  }
0xa8: {  	s4 =	sshll.u32 s28, $0x1;
	[dreg:$0x2] =	wrdreg s2  }
0xa9: {  	[dreg:$0x3] =	wrdreg s4  }
0xaa: {  	[dreg:$0x4] =	wrdreg $0xC0  }
0xab: {  	_ =	task [dreg:s6], $0x5FFFF  }
0xac: {  	[dreg:$0x1] =	wrdreg $0xFFFFFFFF  }
0xad: {  	[dreg:$0x0] =	wrdreg $0x60  }
0xae: {  	[dreg:$0x2] =	wrdreg s24  }
0xaf: {  	[dreg:$0x3] =	wrdreg $0x11F000  }
0xb0: {  	[dreg:$0x4] =	wrdreg $0xD0000  }
0xb1: {  	[dreg:$0x5] =	wrdreg $0x9  }
0xb2: {  	_ =	task.clear_ibuf [dreg:s6], $0x6FFFF;
	_ =	strace $0x90000049  }
0xb3: {  	s29 =	simm.s32 $0x9;
	_ =	strace $0x8000004B  }
0xb4: {  	_ =	swait.ge [sflag:s29], $0x1  }
0xb5: {  	[sflag:s29] =	ssyncadd.s32 $0xFFFFFFFF  }
0xb6: {  	_ =	strace $0x9000004B  }
0xb7: {  	_ =	sfence  }
0xb8: {  	s30 =	sld [smem:$0x0];
	_ =	sdelay $0x2  }
0xb9: {  	s31 =	sshll.u32 s1, $0xD;
	s1 =	sshrl.u32 s1, $0x2  }
0xba: {  	s3 =	sand.u32 $0x4000, s31;
	s1 =	sadd.s32 s1, s30  }
0xbb: {  	s0 =	sor.u32 s3, s0;
	s1 =	sshll.u32 s1, $0x11  }
0xbc: {  	s0 =	sor.u32 s1, s0  }
0xbd: {  	s0 =	sadd.s32 $0x8F2B, s0  }
0xbe: {  	[sflag:s0] =	ssyncadd.remote.s32 $0x1  }
0xbf: {  	_ =	sfence.sel $0xFFFF  }
0xc0: {  	[dreg:$0x0] =	wrdreg $0xFFFFFFFF;
	(pc) =	sbr.abs _section_cstart, $3  }
0xc1: {  	[dreg:$0x1] =	wrdreg $0xFFFFFFFF  }
0xc2: {  	_ =	task.clear_ibuf [dreg:s6], $0x2FFFF;
	_ =	strace $0x9FFFFFFF  }
0xc3: {  	(tm) =	ssettm $0x7FFFFFFF  }
tec
execute0_lowered:
.L_overlay_start_1:
0x0: {  	(tag) =	ssettag $0x1  }
0x1: {  	s0 =	srdreg.scid;
	s1 =	rddreg [dreg:$0x0]  }
0x2: {  	s9 =	stileid.u32;
	s2 =	rddreg [dreg:$0x1];
	s6 =	simm.s32 $0x0  }
0x3: {  	s15 =	simm.s32 $0x11;
	s18 =	simm.s32 $0x6000;
	s20 =	simm.s32 $0x7000  }
0x4: {  	s22 =	simm.s32 $0x8000;
	s24 =	simm.s32 $0x9000;
	s29 =	simm.s32 $0xB000  }
0x5: {  	s31 =	simm.s32 $0xC000;
	s19 =	simm.s32 $0x4;
	s21 =	simm.s32 $0x5  }
0x6: {  	s23 =	simm.s32 $0x6;
	s25 =	simm.s32 $0x7;
	s28 =	simm.s32 $0x8  }
0x7: {  	s30 =	simm.s32 $0x9;
	s17 =	simm.s32 $0x0;
	s0 =	sand.u32 $0x1, s0  }
0x8: {  	s5 =	smul.u32 $0x4F00, s9;
	[smem:$0x7FF] =	sst s6;
	s14 =	sshll.u32 s9, $0x6  }
0x9: {  	s3 =	sshll.u32 s0, $0x4;
	s26 =	smul.u32 $0x4F000, s0;
	s0 =	ssub.s32 $0x2, s0  }
0xa: {  	s11 =	sor.u32 $0x1C11, s14;
	s14 =	simm.s32 $0x10;
	s4 =	sor.u32 s9, s3  }
0xb: {  	s3 =	rddreg [dreg:$0x2];
	_ =	strace $0x8000004A;
	s7 =	sshrl.u32 s5, $0x3  }
0xc: {  	s8 =	sshrl.u32 s0, $0x1;
	s10 =	sadd.s32 s5, s2;
	s9 =	simm.s32 $0xE  }
0xd: {  	[dreg:$0xc] =	wrdreg s17;
	s4 =	smul.u32 $0x500, s4;
	s6 =	sadd.s32 s5, s26  }
0xe: {  	s7 =	sadd.s32 s7, s1;
	s0 =	ssub.s32 s0, s8;
	s5 =	sadd.s32 s5, s3  }
0xf: {  	s16 =	sshrl.u32 s10, $0x3;
	s26 =	simm.s32 $0xA000;
	s10 =	simm.s32 $0xF  }
0x10: {  	s6 =	sshrl.u32 s6, $0x3;
	s12 =	sadd.s32 $0x16600, s7;
	[dreg:$0xa] =	wrdreg s16  }
0x11: {  	s13 =	sadd.s32 $0x20400, s7;
	s0 =	smax.u32 s0, $0x1;
	[dreg:$0x6] =	wrdreg s12  }
0x12: {  	s16 =	simm.s32 $0x80;
	s7 =	simm.s32 $0xC;
	[dreg:$0x7] =	wrdreg s13  }
0x13: {  	s4 =	sadd.s32 s4, s1;
	s1 =	sadd.s32 s6, s1;
	[dreg:$0x9] =	wrdreg s0  }
.Ltmp0:
0x14: {  	s13 =	sshrl.u32 s5, $0x3;
	s0 =	simm.s32 $0x2;
	(pc) =	sbr.rel .LBB2_1-.Ltmp0, $4  }
0x15: {  	s12 =	simm.s32 $0x3;
	s8 =	sadd.s32 $0xC600, s4;
	[dreg:$0xb] =	wrdreg s13  }
0x16: {  	s5 =	simm.s32 $0xA;
	s4 =	sadd.s32 $0x2600, s4;
	[dreg:$0x4] =	wrdreg s8  }
0x17: {  	s6 =	simm.s32 $0xB;
	s1 =	sadd.s32 $0x2A200, s1;
	[dreg:$0x5] =	wrdreg s4  }
0x18: {  	[dreg:$0x8] =	wrdreg s1;
	s1 =	simm.s32 $0x1;
	s8 =	simm.s32 $0xD  }
.LBB2_4:
0x19: {  	_ =	swait.ge [sflag:s5], $0x1000  }
0x1a: {  	[sflag:s5] =	ssyncset.done $0x0  }
0x1b: {  	[sflag:s5] =	ssyncadd.s32 $0xFFFFF000  }
0x1c: {  	_ =	swait.ge [sflag:s6], $0x1000  }
0x1d: {  	[sflag:s6] =	ssyncset.done $0x0  }
0x1e: {  	[sflag:s6] =	ssyncadd.s32 $0xFFFFF000  }
0x1f: {  	_ =	swait.ge [sflag:s7], $0x1000  }
0x20: {  	[sflag:s7] =	ssyncset.done $0x0  }
0x21: {  	[sflag:s7] =	ssyncadd.s32 $0xFFFFF000  }
0x22: {  	_ =	swait.ge [sflag:s8], $0x1000  }
0x23: {  	[sflag:s8] =	ssyncset.done $0x0  }
0x24: {  	[sflag:s8] =	ssyncadd.s32 $0xFFFFF000  }
0x25: {  	_ =	swait.ge [sflag:s9], $0x1000  }
0x26: {  	[sflag:s9] =	ssyncset.done $0x0  }
0x27: {  	[sflag:s9] =	ssyncadd.s32 $0xFFFFF000  }
0x28: {  	_ =	swait.ge [sflag:s10], $0x1000  }
0x29: {  	[sflag:s10] =	ssyncset.done $0x0  }
0x2a: {  	[sflag:s10] =	ssyncadd.s32 $0xFFFFF000  }
0x2b: {  	_ =	swait.ge [sflag:s14], $0x1000  }
0x2c: {  	[sflag:s14] =	ssyncset.done $0x0  }
0x2d: {  	[sflag:s14] =	ssyncadd.s32 $0xFFFFF000  }
0x2e: {  	[bflag:$0x0] =	sbarrier.arrive $0xFFFF  }
0x2f: {  	s11 =	rddreg [dreg:$0x8]  }
0x30: {  	s15 =	simm.s32 $0x11;
	s13 =	rddreg [dreg:$0xb]  }
0x31: {  	[hbm:s11], [sflag:s4] =	dma.local [spmem:s13], $0x9E0  }
0x32: {  	_ =	swait.ge [sflag:s15], $0x9E0  }
0x33: {  	s11 =	rddreg [dreg:$0xc]  }
0x34: {  	s17 =	smov.u32 s4;
	s13 =	rddreg [dreg:$0x9];
	s4 =	sadd.s32 $0x1, s11  }
0x35: {  	p0 =	sne.s32 s4, s13  }
.Ltmp1:
0x36: {  	_ = 	snop;
	(pc) =	sbr.rel @!p0 .LBB2_5-.Ltmp1, $3  }
0x37: {  	_ =	sdelay $0x1  }
0x38: {  	[sflag:s15] =	ssyncset.done $0x0  }
0x39: {  	[sflag:s15] =	ssyncadd.s32 $0xFFFFF620;
	s11 =	smov.u32 s17;
	[dreg:$0xc] =	wrdreg s4  }
.LBB2_1:
0x3a: {  	s4 =	simm.s32 $0x0;
	s13 =	rddreg [dreg:$0x4]  }
0x3b: {  	[tilespmem:s4], [sflag:$0x11] =	stream.linear.gather [hbm4b:s13+s4], $0x2800, $0x38;
	[tilespmem:$0x16E00] =	vst v63  }
0x3c: {  	_ =	swait.ge [sflag:s15], $0x2800  }
0x3d: {  	s17 =	simm.s32 $0x0;
	[sflag:s15] =	ssyncset.done $0x0  }
0x3e: {  	s4 =	simm.s32 $0x2800;
	s13 =	rddreg [dreg:$0x5];
	[sflag:s15] =	ssyncadd.s32 $0xFFFFD800  }
0x3f: {  	[tilespmem:s4], [sflag:$0x11] =	stream.linear.gather [hbm4b:s13+s17], $0x2800, $0x38;
	[tilespmem:$0x16E00] =	vst v63  }
0x40: {  	_ =	swait.ge [sflag:s15], $0x2800  }
0x41: {  	[sflag:s15] =	ssyncset.done $0x0;
	s13 =	rddreg [dreg:$0x6]  }
0x42: {  	s4 =	rddreg [dreg:$0xa];
	[sflag:s15] =	ssyncadd.s32 $0xFFFFD800  }
0x43: {  	[spmem:s4], [sflag:s11] =	dma.local [hbm:s13], $0x9E0  }
0x44: {  	_ =	swait.ge [sflag:s15], $0x9E0  }
0x45: {  	[sflag:s15] =	ssyncset.done $0x0;
	s13 =	rddreg [dreg:$0x7]  }
0x46: {  	s4 =	rddreg [dreg:$0xb];
	[sflag:s15] =	ssyncadd.s32 $0xFFFFF620  }
0x47: {  	[spmem:s4], [sflag:s11] =	dma.local [hbm:s13], $0x9E0  }
0x48: {  	_ =	swait.ge [sflag:s15], $0x9E0  }
0x49: {  	[sflag:s15] =	ssyncset.done $0x0  }
0x4a: {  	[sflag:s15] =	ssyncadd.s32 $0xFFFFF620  }
0x4b: {  	s17 =	simm.s32 $0x5000;
	s15 =	simm.s32 $0x0;
	[bflag:$0x0] =	sbarrier.arrive $0xFFFF  }
0x4c: {  	[tilespmem:s17], [sflag:$0x1] =	stream.indirect.gather [spmem:s2], $0x20, s15, s16, $0xb8;
	[tilespmem:$0x16E00] =	vst v63  }
0x4d: {  	_ = 	snop  }
0x4e: {  	[tilespmem:s18], [sflag:$0x2] =	stream.indirect.gather [spmem:s2], $0x20, s16, s16, $0xb8;
	[tilespmem:$0x16E00] =	vst v63  }
0x4f: {  	s13 =	simm.s32 $0x100  }
0x50: {  	[tilespmem:s20], [sflag:$0x3] =	stream.indirect.gather [spmem:s2], $0x20, s13, s16, $0xb8;
	[tilespmem:$0x16E00] =	vst v63  }
0x51: {  	s15 =	simm.s32 $0x180  }
0x52: {  	[tilespmem:s22], [sflag:$0x4] =	stream.indirect.gather [spmem:s2], $0x20, s15, s16, $0xb8;
	[tilespmem:$0x16E00] =	vst v63  }
0x53: {  	s13 =	simm.s32 $0x200  }
0x54: {  	[tilespmem:s24], [sflag:$0x5] =	stream.indirect.gather [spmem:s2], $0x20, s13, s16, $0xb8;
	[tilespmem:$0x16E00] =	vst v63  }
0x55: {  	s15 =	simm.s32 $0x280  }
0x56: {  	[tilespmem:s26], [sflag:$0x6] =	stream.indirect.gather [spmem:s2], $0x20, s15, s16, $0xb8;
	[tilespmem:$0x16E00] =	vst v63  }
0x57: {  	s13 =	simm.s32 $0x300  }
0x58: {  	[tilespmem:s29], [sflag:$0x7] =	stream.indirect.gather [spmem:s2], $0x20, s13, s16, $0xb8;
	[tilespmem:$0x16E00] =	vst v63  }
0x59: {  	s15 =	simm.s32 $0x380  }
0x5a: {  	[tilespmem:s31], [sflag:$0x8] =	stream.indirect.gather [spmem:s2], $0x20, s15, s16, $0xb8;
	[tilespmem:$0x16E00] =	vst v63  }
0x5b: {  	s4 =	smov.u32 s11;
	s15 =	simm.s32 $0x0  }
.LBB2_2:
0x5c: {  	_ =	swait.ge [sflag:s1], $0x1000  }
0x5d: {  	s13 =	sshra.s32 s15, $0x2;
	[sflag:s1] =	ssyncset.done $0x0  }
0x5e: {  	s11 =	sadd.s32 $0x2800, s13;
	[sflag:s1] =	ssyncadd.s32 $0xFFFFF000  }
0x5f: {  	[spmem:s3] =	stream.indirect.scatter.add.f32 [tilespmem:s17], [sflag:$0x9], $0x20, s11, s16, $0xb8;
	[tilespmem:$0x16E00] =	vst v63  }
0x60: {  	_ =	swait.ge [sflag:s0], $0x1000  }
0x61: {  	[sflag:s0] =	ssyncset.done $0x0  }
0x62: {  	s11 =	sadd.s32 $0x2880, s13;
	[sflag:s0] =	ssyncadd.s32 $0xFFFFF000  }
0x63: {  	[spmem:s3] =	stream.indirect.scatter.add.f32 [tilespmem:s18], [sflag:$0xA], $0x20, s11, s16, $0xb8;
	[tilespmem:$0x16E00] =	vst v63  }
0x64: {  	_ =	swait.ge [sflag:s12], $0x1000  }
0x65: {  	[sflag:s12] =	ssyncset.done $0x0  }
0x66: {  	s11 =	sadd.s32 $0x2900, s13;
	[sflag:s12] =	ssyncadd.s32 $0xFFFFF000  }
0x67: {  	[spmem:s3] =	stream.indirect.scatter.add.f32 [tilespmem:s20], [sflag:$0xB], $0x20, s11, s16, $0xb8;
	[tilespmem:$0x16E00] =	vst v63  }
0x68: {  	_ =	swait.ge [sflag:s19], $0x1000  }
0x69: {  	[sflag:s19] =	ssyncset.done $0x0  }
0x6a: {  	s11 =	sadd.s32 $0x2980, s13;
	[sflag:s19] =	ssyncadd.s32 $0xFFFFF000  }
0x6b: {  	[spmem:s3] =	stream.indirect.scatter.add.f32 [tilespmem:s22], [sflag:$0xC], $0x20, s11, s16, $0xb8;
	[tilespmem:$0x16E00] =	vst v63  }
0x6c: {  	_ =	swait.ge [sflag:s21], $0x1000  }
0x6d: {  	[sflag:s21] =	ssyncset.done $0x0  }
0x6e: {  	s11 =	sadd.s32 $0x2A00, s13;
	[sflag:s21] =	ssyncadd.s32 $0xFFFFF000  }
0x6f: {  	[spmem:s3] =	stream.indirect.scatter.add.f32 [tilespmem:s24], [sflag:$0xD], $0x20, s11, s16, $0xb8;
	[tilespmem:$0x16E00] =	vst v63  }
0x70: {  	_ =	swait.ge [sflag:s23], $0x1000  }
0x71: {  	[sflag:s23] =	ssyncset.done $0x0  }
0x72: {  	s11 =	sadd.s32 $0x2A80, s13;
	[sflag:s23] =	ssyncadd.s32 $0xFFFFF000  }
0x73: {  	[spmem:s3] =	stream.indirect.scatter.add.f32 [tilespmem:s26], [sflag:$0xE], $0x20, s11, s16, $0xb8;
	[tilespmem:$0x16E00] =	vst v63  }
0x74: {  	_ =	swait.ge [sflag:s25], $0x1000  }
0x75: {  	[sflag:s25] =	ssyncset.done $0x0  }
0x76: {  	s11 =	sadd.s32 $0x2B00, s13;
	[sflag:s25] =	ssyncadd.s32 $0xFFFFF000  }
0x77: {  	[spmem:s3] =	stream.indirect.scatter.add.f32 [tilespmem:s29], [sflag:$0xF], $0x20, s11, s16, $0xb8;
	[tilespmem:$0x16E00] =	vst v63  }
0x78: {  	_ =	swait.ge [sflag:s28], $0x1000  }
0x79: {  	p0 =	seq.s32 s15, $0x9000;
	[sflag:s28] =	ssyncset.done $0x0  }
.Ltmp2:
0x7a: {  	s11 =	sadd.s32 $0x2B80, s13;
	[sflag:s28] =	ssyncadd.s32 $0xFFFFF000;
	(pc) =	sbr.rel @p0 .LBB2_4-.Ltmp2, $4  }
0x7b: {  	[spmem:s3] =	stream.indirect.scatter.add.f32 [tilespmem:s31], [sflag:$0x10], $0x20, s11, s16, $0xb8;
	[tilespmem:$0x16E00] =	vst v63  }
0x7c: {  	_ =	swait.ge [sflag:s30], $0x1000  }
0x7d: {  	[sflag:s30] =	ssyncset.done $0x0  }
0x7e: {  	[sflag:s30] =	ssyncadd.s32 $0xFFFFF000  }
0x7f: {  	s11 =	sadd.s32 $0x400, s13  }
0x80: {  	[tilespmem:s17], [sflag:$0x1] =	stream.indirect.gather [spmem:s2], $0x20, s11, s16, $0xb8;
	[tilespmem:$0x16E00] =	vst v63  }
0x81: {  	_ =	swait.ge [sflag:s5], $0x1000  }
0x82: {  	[sflag:s5] =	ssyncset.done $0x0  }
0x83: {  	s11 =	sadd.s32 $0x480, s13;
	[sflag:s5] =	ssyncadd.s32 $0xFFFFF000  }
0x84: {  	[tilespmem:s18], [sflag:$0x2] =	stream.indirect.gather [spmem:s2], $0x20, s11, s16, $0xb8;
	[tilespmem:$0x16E00] =	vst v63  }
0x85: {  	_ =	swait.ge [sflag:s6], $0x1000  }
0x86: {  	[sflag:s6] =	ssyncset.done $0x0  }
0x87: {  	s11 =	sadd.s32 $0x500, s13;
	[sflag:s6] =	ssyncadd.s32 $0xFFFFF000  }
0x88: {  	[tilespmem:s20], [sflag:$0x3] =	stream.indirect.gather [spmem:s2], $0x20, s11, s16, $0xb8;
	[tilespmem:$0x16E00] =	vst v63  }
0x89: {  	_ =	swait.ge [sflag:s7], $0x1000  }
0x8a: {  	[sflag:s7] =	ssyncset.done $0x0  }
0x8b: {  	s11 =	sadd.s32 $0x580, s13;
	[sflag:s7] =	ssyncadd.s32 $0xFFFFF000  }
0x8c: {  	[tilespmem:s22], [sflag:$0x4] =	stream.indirect.gather [spmem:s2], $0x20, s11, s16, $0xb8;
	[tilespmem:$0x16E00] =	vst v63  }
0x8d: {  	_ =	swait.ge [sflag:s8], $0x1000  }
0x8e: {  	[sflag:s8] =	ssyncset.done $0x0  }
0x8f: {  	s11 =	sadd.s32 $0x600, s13;
	[sflag:s8] =	ssyncadd.s32 $0xFFFFF000  }
0x90: {  	[tilespmem:s24], [sflag:$0x5] =	stream.indirect.gather [spmem:s2], $0x20, s11, s16, $0xb8;
	[tilespmem:$0x16E00] =	vst v63  }
0x91: {  	_ =	swait.ge [sflag:s9], $0x1000  }
0x92: {  	[sflag:s9] =	ssyncset.done $0x0  }
0x93: {  	s11 =	sadd.s32 $0x680, s13;
	[sflag:s9] =	ssyncadd.s32 $0xFFFFF000  }
0x94: {  	[tilespmem:s26], [sflag:$0x6] =	stream.indirect.gather [spmem:s2], $0x20, s11, s16, $0xb8;
	[tilespmem:$0x16E00] =	vst v63  }
0x95: {  	_ =	swait.ge [sflag:s10], $0x1000  }
0x96: {  	[sflag:s10] =	ssyncset.done $0x0  }
0x97: {  	s11 =	sadd.s32 $0x700, s13;
	[sflag:s10] =	ssyncadd.s32 $0xFFFFF000  }
0x98: {  	[tilespmem:s29], [sflag:$0x7] =	stream.indirect.gather [spmem:s2], $0x20, s11, s16, $0xb8;
	[tilespmem:$0x16E00] =	vst v63  }
.Ltmp3:
0x99: {  	_ = 	snop;
	(pc) =	sbr.rel .LBB2_2-.Ltmp3, $4  }
0x9a: {  	_ =	swait.ge [sflag:s14], $0x1000  }
0x9b: {  	[sflag:s14] =	ssyncset.done $0x0  }
0x9c: {  	s15 =	sadd.s32 $0x1000, s15;
	s13 =	sadd.s32 $0x780, s13;
	[sflag:s14] =	ssyncadd.s32 $0xFFFFF000  }
0x9d: {  	[tilespmem:s31], [sflag:$0x8] =	stream.indirect.gather [spmem:s2], $0x20, s13, s16, $0xb8;
	[tilespmem:$0x16E00] =	vst v63  }
.LBB2_5:
0x9e: {  	_ =	sfence.sel $0x180000  }
0x9f: {  	[bflag:$0x0] =	sbarrier.arrive $0xFFFF  }
0xa0: {  	_ =	strace $0x9000004A  }
0xa1: {  	s0 =	stileid.u32;
	[bflag:$0x2] =	sbarrier.arrive $0xFFFF  }
0xa2: {  	p0 =	sne.s32 s0, $0x0;
	s0 =	rddreg [dreg:$0x3]  }
0xa3: {  	s0 =	sadd.s32 @!p0 $0x100000, s0  }
0xa4: {  	[sflag:s0] =	ssyncadd.tile.s32 @!p0 $0x1;
	_ =	shalt  }
.Lfunc_end2:
_tile_overlayer_lowered:
.L_overlay_start_2:
0xa5: {  	(tag) =	ssettag $0x2  }
0xa6: {  	s0 =	rddreg [dreg:$0x0];
	s2 =	stileid.u32  }
0xa7: {  	s1 =	rddreg [dreg:$0x1];
	p0 =	sne.s32 s2, $0x0  }
0xa8: {  	s3 =	rddreg [dreg:$0x2];
	[bflag:$0x3] =	sbarrier.arrive $0xFFFF;
	s2 =	simm.s32 @!p0 $0x1C11  }
0xa9: {  	[timem:s3], [sflag:s2] =	dma.local @!p0 [hbm:s0], s1  }
0xaa: {  	s0 =	simm.s32 @!p0 $0x11  }
0xab: {  	_ =	swait.ge @!p0 [sflag:s0], s1  }
0xac: {  	s1 =	ssub.s32 @!p0 $0x0, s1;
	[sflag:s0] =	ssyncset.done @!p0 $0x0  }
0xad: {  	[sflag:s0] =	ssyncadd.s32 @!p0 s1  }
0xae: {  	[bflag:$0x3] =	sbarrier.arrive $0xFFFF  }
0xaf: {  	_ =	shalt  }

// kernel: kernel.7.cloned.1.call-start
scs
__scs_entry_jumppad:
0x0: {  	(pc) =	sbr.rel $0x88, $3  }
0x1: {  	(tag) =	ssettag $0x0;
	lr =	simm.s32 $0x1  }
0x2: {  	[smem:$0x3F90] =	sst lr;
	_ =	strace $0xD0000000  }
0x3: {  	_ = 	snop  }
0x4: {  	_ = 	snop  }
0x5: {  	_ = 	snop  }
0x6: {  	_ = 	snop  }
0x7: {  	_ = 	snop  }
__scs_overlays_trampoline_lowered:
0x8: {  	[smem:$0x3F9F] =	sst s0  }
0x9: {  	[smem:$0x3FA0] =	sst s1  }
0xa: {  	[smem:$0x3FA1] =	sst s2  }
0xb: {  	[smem:$0x3FA2] =	sst s3  }
0xc: {  	[smem:$0x3FA3] =	sst s4  }
0xd: {  	[smem:$0x3FA4] =	sst s5  }
0xe: {  	[smem:$0x3FA5] =	sst s6  }
0xf: {  	[smem:$0x3FA6] =	sst s7  }
0x10: {  	[smem:$0x3FA7] =	sst s8  }
0x11: {  	[smem:$0x3FA8] =	sst s9;
	s0 =	simm.s32 @!p0 $0x0  }
0x12: {  	s1 =	sld [smem:$0x3F8E];
	s0 =	simm.s32 @p0 $0x1  }
0x13: {  	[smem:$0x3FA9] =	sst s0;
	s0 =	simm.s32 @!p1 $0x0  }
0x14: {  	s2 =	sld [smem:$0x3F8D];
	s0 =	simm.s32 @p1 $0x1  }
0x15: {  	[smem:$0x3FAA] =	sst s0;
	s0 =	simm.s32 @!p2 $0x0  }
0x16: {  	s3 =	sld [smem:$0x3FDB];
	s0 =	simm.s32 @p2 $0x1  }
0x17: {  	s4 =	simm.s32 $0x1BF5;
	[smem:$0x3FAC] =	sst s0  }
0x18: {  	s0 =	sld [smem:$0x3F8F];
	_ =	swait.ge [sflag:s4], $0x0  }
0x19: {  	s7 =	sld [smem:$0x3F90]  }
0x1a: {  	s8 =	sadd.s32 $0xFFFFE003, lr  }
0x1b: {  	s9 =	sadd.s32 $0xFFFFFEF7, lr;
	s5 =	simm.s32 $0xFFFFFFFF;
	p2 =	slt.u32 s8, $0xFFFFF086  }
0x1c: {  	p1 =	slt.u32 s9, $0xF7A;
	s5 =	simm.s32 @!p2 $0x0  }
0x1d: {  	s5 =	simm.s32 @p1 $0x1;
	p0 =	seq.s32 s7, s2  }
0x1e: {  	s7 =	smul.u32 @!p0 $0xF7A, s2;
	p2 =	seq.s32 @!p0 s5, $0x0  }
0x1f: {  	s9 =	smul.u32 $0xF7A, s1;
	s8 =	simm.s32 @!p0 $0x1BF5;
	p2 =	por !p2, p0  }
0x20: {  	[sflag:s8] =	ssyncset.s32 @!p0 $0xFFFFF086;
	s6 =	sadd.s32 @!p0 s3, s7;
	s7 =	simm.s32 @!p0 $0x108  }
0x21: {  	s3 =	sadd.s32 s3, s9;
	s6 =	sadd.s32 @!p0 $0x88, s6;
	s7 =	simm.s32 @p2 $0x1082  }
0x22: {  	[simem:s7], [sflag:s8] =	dma.local @!p0 [hbm:s6], $0xF7A  }
0x23: {  	s9 =	sor.u32 $0xD0000000, s2;
	s6 =	simm.s32 $0x108;
	_ =	swait.ge @!p0 [sflag:s8], $0x0  }
0x24: {  	s3 =	sadd.s32 $0x88, s3;
	s6 =	simm.s32 @!p1 $0x1082;
	[sflag:s4] =	ssyncset.s32 $0xFFFFF086  }
0x25: {  	[simem:s6], [sflag:s4] =	dma.local [hbm:s3], $0xF7A  }
0x26: {  	[smem:$0x3F90] =	sst s1;
	(tag) =	ssettag s2;
	_ =	strace s9  }
0x27: {  	s1 =	sld [smem:$0x3FA0]  }
0x28: {  	s2 =	sld [smem:$0x3FA1]  }
0x29: {  	s4 =	sld [smem:$0x3FA3]  }
0x2a: {  	p0 =	seq.s32 s5, $0x0;
	s5 =	sld [smem:$0x3FA4]  }
0x2b: {  	s6 =	sld [smem:$0x3FA5]  }
0x2c: {  	s7 =	sld [smem:$0x3FA6]  }
0x2d: {  	s3 =	simm.s32 $0x108;
	s8 =	sld [smem:$0x3FA7]  }
0x2e: {  	s3 =	simm.s32 @!p0 $0x1082;
	s9 =	sld [smem:$0x3FA8]  }
0x2f: {  	lr =	sadd.s32 s0, s3;
	s0 =	sld [smem:$0x3F9F]  }
0x30: {  	s3 =	sld [smem:$0x3FA2]  }
0x31: {  	[smem:$0x3FAB] =	sst s10  }
0x32: {  	s10 =	sld [smem:$0x3FA9];
	_ =	sdelay $0x3  }
0x33: {  	p0 =	seq.s32 s10, $0x1;
	s10 =	sld [smem:$0x3FAB];
	_ =	sdelay $0x3  }
0x34: {  	[smem:$0x3FAB] =	sst s10  }
0x35: {  	s10 =	sld [smem:$0x3FAA];
	_ =	sdelay $0x3  }
0x36: {  	p1 =	seq.s32 s10, $0x1;
	s10 =	sld [smem:$0x3FAB];
	_ =	sdelay $0x3  }
0x37: {  	[smem:$0x3FAB] =	sst s10  }
0x38: {  	s10 =	sld [smem:$0x3FAC]  }
0x39: {  	_ = 	snop;
	(pc) =	sbr.ind lr, $3  }
0x3a: {  	_ = 	snop  }
0x3b: {  	_ = 	snop  }
0x3c: {  	p2 =	seq.s32 s10, $0x1;
	s10 =	sld [smem:$0x3FAB]  }
0x3d: {  	_ =	shalt  }
0x3e: {  	_ =	shalt  }
0x3f: {  	_ =	shalt  }
0x40: {  	_ =	shalt  }
0x41: {  	_ =	shalt  }
0x42: {  	_ =	shalt  }
0x43: {  	_ =	shalt  }
0x44: {  	_ =	shalt  }
0x45: {  	_ =	shalt  }
0x46: {  	_ =	shalt  }
0x47: {  	_ =	shalt  }
0x48: {  	_ =	shalt  }
0x49: {  	_ =	shalt  }
0x4a: {  	_ =	shalt  }
0x4b: {  	_ =	shalt  }
0x4c: {  	_ =	shalt  }
0x4d: {  	_ =	shalt  }
0x4e: {  	_ =	shalt  }
0x4f: {  	_ =	shalt  }
0x50: {  	_ =	shalt  }
0x51: {  	_ =	shalt  }
0x52: {  	_ =	shalt  }
0x53: {  	_ =	shalt  }
0x54: {  	_ =	shalt  }
0x55: {  	_ =	shalt  }
0x56: {  	_ =	shalt  }
0x57: {  	_ =	shalt  }
0x58: {  	_ =	shalt  }
0x59: {  	_ =	shalt  }
0x5a: {  	_ =	shalt  }
0x5b: {  	_ =	shalt  }
0x5c: {  	_ =	shalt  }
0x5d: {  	_ =	shalt  }
0x5e: {  	_ =	shalt  }
0x5f: {  	_ =	shalt  }
0x60: {  	_ =	shalt  }
0x61: {  	_ =	shalt  }
0x62: {  	_ =	shalt  }
0x63: {  	_ =	shalt  }
0x64: {  	_ =	shalt  }
0x65: {  	_ =	shalt  }
0x66: {  	_ =	shalt  }
0x67: {  	_ =	shalt  }
0x68: {  	_ =	shalt  }
0x69: {  	_ =	shalt  }
0x6a: {  	_ =	shalt  }
0x6b: {  	_ =	shalt  }
0x6c: {  	_ =	shalt  }
0x6d: {  	_ =	shalt  }
0x6e: {  	_ =	shalt  }
0x6f: {  	_ =	shalt  }
0x70: {  	_ =	shalt  }
0x71: {  	_ =	shalt  }
0x72: {  	_ =	shalt  }
0x73: {  	_ =	shalt  }
0x74: {  	_ =	shalt  }
0x75: {  	_ =	shalt  }
0x76: {  	_ =	shalt  }
0x77: {  	_ =	shalt  }
0x78: {  	_ =	shalt  }
0x79: {  	_ =	shalt  }
0x7a: {  	_ =	shalt  }
0x7b: {  	_ =	shalt  }
0x7c: {  	_ =	shalt  }
0x7d: {  	_ =	shalt  }
0x7e: {  	_ =	shalt  }
0x7f: {  	_ =	shalt  }
0x80: {  	_ =	shalt  }
0x81: {  	_ =	shalt  }
0x82: {  	_ =	shalt  }
0x83: {  	_ =	shalt  }
0x84: {  	_ =	shalt  }
0x85: {  	_ =	shalt  }
0x86: {  	_ =	shalt  }
0x87: {  	_ =	shalt  }
.Lfunc_end0:
.L_simem_size_0:
called_computation_lowered:
.L_overlay_start_0:
0x88: {  	s2 =	sld [smem:$0x3FD9]  }
0x89: {  	s3 =	sld [smem:$0x3FFE];
	_ =	sdelay $0x1  }
0x8a: {  	s1 =	srdreg.scid  }
0x8b: {  	s0 =	sand.u32 $0x1, s1  }
0x8c: {  	s16 =	sshll.u32 s0, $0xA;
	s2 =	sadd.s32 s3, s2  }
0x8d: {  	s2 =	sadd.s32 s2, s16  }
0x8e: {  	[smem:$0x3FB7] =	sst s2  }
0x8f: {  	_ = 	snop  }
0x90: {  	(tm) =	ssettm $0x1  }
0x91: {  	s17 =	sld [smem:$0x3FFB];
	_ =	sdelay $0x3  }
0x92: {  	_ =	strace s17  }
0x93: {  	s2 =	sld [smem:$0x3FFC];
	_ =	sdelay $0x3  }
0x94: {  	_ =	strace s2  }
0x95: {  	s2 =	sld [smem:$0x3FFD];
	_ =	sdelay $0x3  }
0x96: {  	_ =	strace s2  }
0x97: {  	_ =	strace $0x8FFFFFFF  }
0x98: {  	s18 =	sld [smem:$0x3FDB];
	_ =	sdelay $0x1  }
0x99: {  	s19 =	simm.s32 $_scs_section_size  }
0x9a: {  	s4 =	simm.s32 $_size__tile_overlayer_lowered;
	s5 =	simm.s32 $_tile_overlayer_lowered  }
0x9b: {  	s22 =	simm.s32 $0x1BFF;
	s21 =	sshll.u32 s5, $0x1;
	s2 =	sadd.s32 s19, s18  }
0x9c: {  	s6 =	simm.s32 $0x0;
	s20 =	sshll.u32 s4, $0x1;
	s4 =	sadd.s32 s21, s2  }
0x9d: {  	[timem:s6], [sflag:s22] =	dma.local [hbm:s4], s20  }
0x9e: {  	_ =	swait.ge [sflag:s22], s20  }
0x9f: {  	s3 =	ssub.s32 $0x0, s20;
	[sflag:s22] =	ssyncset.done $0x0  }
0xa0: {  	[sflag:s22] =	ssyncadd.s32 s3;
	_ =	sdelay $0x1  }
0xa1: {  	s23 =	simm.s32 $0x1B8B  }
0xa2: {  	_ =	swait.ge [sflag:s23], $0x1  }
0xa3: {  	[sflag:s23] =	ssyncset.done $0x0  }
0xa4: {  	s25 =	simm.s32 $0x1B8E;
	s24 =	sld [smem:$0x3FFE];
	[sflag:s23] =	ssyncadd.s32 $0xFFFFFFFF  }
0xa5: {  	s26 =	simm.s32 $execute0_lowered;
	[smem:$0x3FD2] =	sst s25  }
0xa6: {  	s4 =	sshll.u32 s26, $0x1;
	_ =	strace $0x80000046;
	[dreg:$0x1] =	wrdreg $0xFFFFFFFF  }
0xa7: {  	s28 =	simm.s32 $_size_execute0_lowered;
	s2 =	sadd.s32 s2, s4;
	[dreg:$0x0] =	wrdreg $0x0  }
0xa8: {  	s4 =	sshll.u32 s28, $0x1;
	[dreg:$0x2] =	wrdreg s2  }
0xa9: {  	[dreg:$0x3] =	wrdreg s4  }
0xaa: {  	[dreg:$0x4] =	wrdreg $0xC0  }
0xab: {  	_ =	task [dreg:s6], $0x5FFFF  }
0xac: {  	[dreg:$0x1] =	wrdreg $0xFFFFFFFF  }
0xad: {  	[dreg:$0x0] =	wrdreg $0x60  }
0xae: {  	[dreg:$0x2] =	wrdreg s24  }
0xaf: {  	[dreg:$0x3] =	wrdreg $0x11F000  }
0xb0: {  	[dreg:$0x4] =	wrdreg $0xD0000  }
0xb1: {  	[dreg:$0x5] =	wrdreg $0x9  }
0xb2: {  	_ =	task.clear_ibuf [dreg:s6], $0x6FFFF;
	_ =	strace $0x90000046  }
0xb3: {  	s29 =	simm.s32 $0x9;
	_ =	strace $0x80000048  }
0xb4: {  	_ =	swait.ge [sflag:s29], $0x1  }
0xb5: {  	[sflag:s29] =	ssyncadd.s32 $0xFFFFFFFF  }
0xb6: {  	_ =	strace $0x90000048  }
0xb7: {  	_ =	sfence  }
0xb8: {  	s30 =	sld [smem:$0x0];
	_ =	sdelay $0x2  }
0xb9: {  	s31 =	sshll.u32 s1, $0xD;
	s1 =	sshrl.u32 s1, $0x2  }
0xba: {  	s3 =	sand.u32 $0x4000, s31;
	s1 =	sadd.s32 s1, s30  }
0xbb: {  	s0 =	sor.u32 s3, s0;
	s1 =	sshll.u32 s1, $0x11  }
0xbc: {  	s0 =	sor.u32 s1, s0  }
0xbd: {  	s0 =	sadd.s32 $0x8F2B, s0  }
0xbe: {  	[sflag:s0] =	ssyncadd.remote.s32 $0x1  }
0xbf: {  	_ =	sfence.sel $0xFFFF  }
0xc0: {  	[dreg:$0x0] =	wrdreg $0xFFFFFFFF;
	(pc) =	sbr.abs _section_cstart, $3  }
0xc1: {  	[dreg:$0x1] =	wrdreg $0xFFFFFFFF  }
0xc2: {  	_ =	task.clear_ibuf [dreg:s6], $0x2FFFF;
	_ =	strace $0x9FFFFFFF  }
0xc3: {  	(tm) =	ssettm $0x7FFFFFFF  }
tec
execute0_lowered:
.L_overlay_start_1:
0x0: {  	(tag) =	ssettag $0x1  }
0x1: {  	s0 =	srdreg.scid;
	s1 =	rddreg [dreg:$0x0]  }
0x2: {  	s9 =	stileid.u32;
	s2 =	rddreg [dreg:$0x1];
	s6 =	simm.s32 $0x0  }
0x3: {  	s15 =	simm.s32 $0x11;
	s18 =	simm.s32 $0x6000;
	s20 =	simm.s32 $0x7000  }
0x4: {  	s22 =	simm.s32 $0x8000;
	s24 =	simm.s32 $0x9000;
	s29 =	simm.s32 $0xB000  }
0x5: {  	s31 =	simm.s32 $0xC000;
	s19 =	simm.s32 $0x4;
	s21 =	simm.s32 $0x5  }
0x6: {  	s23 =	simm.s32 $0x6;
	s25 =	simm.s32 $0x7;
	s28 =	simm.s32 $0x8  }
0x7: {  	s30 =	simm.s32 $0x9;
	s17 =	simm.s32 $0x0;
	s0 =	sand.u32 $0x1, s0  }
0x8: {  	s5 =	smul.u32 $0x4F00, s9;
	[smem:$0x7FF] =	sst s6;
	s14 =	sshll.u32 s9, $0x6  }
0x9: {  	s3 =	sshll.u32 s0, $0x4;
	s26 =	smul.u32 $0x4F000, s0;
	s0 =	ssub.s32 $0x2, s0  }
0xa: {  	s11 =	sor.u32 $0x1C11, s14;
	s14 =	simm.s32 $0x10;
	s4 =	sor.u32 s9, s3  }
0xb: {  	s3 =	rddreg [dreg:$0x2];
	_ =	strace $0x80000047;
	s7 =	sshrl.u32 s5, $0x3  }
0xc: {  	s8 =	sshrl.u32 s0, $0x1;
	s10 =	sadd.s32 s5, s2;
	s9 =	simm.s32 $0xE  }
0xd: {  	[dreg:$0xc] =	wrdreg s17;
	s4 =	smul.u32 $0x500, s4;
	s6 =	sadd.s32 s5, s26  }
0xe: {  	s7 =	sadd.s32 s7, s1;
	s0 =	ssub.s32 s0, s8;
	s5 =	sadd.s32 s5, s3  }
0xf: {  	s16 =	sshrl.u32 s10, $0x3;
	s26 =	simm.s32 $0xA000;
	s10 =	simm.s32 $0xF  }
0x10: {  	s6 =	sshrl.u32 s6, $0x3;
	s12 =	sadd.s32 $0x16600, s7;
	[dreg:$0xa] =	wrdreg s16  }
0x11: {  	s13 =	sadd.s32 $0x20400, s7;
	s0 =	smax.u32 s0, $0x1;
	[dreg:$0x6] =	wrdreg s12  }
0x12: {  	s16 =	simm.s32 $0x80;
	s7 =	simm.s32 $0xC;
	[dreg:$0x7] =	wrdreg s13  }
0x13: {  	s4 =	sadd.s32 s4, s1;
	s1 =	sadd.s32 s6, s1;
	[dreg:$0x9] =	wrdreg s0  }
.Ltmp0:
0x14: {  	s13 =	sshrl.u32 s5, $0x3;
	s0 =	simm.s32 $0x2;
	(pc) =	sbr.rel .LBB2_1-.Ltmp0, $4  }
0x15: {  	s12 =	simm.s32 $0x3;
	s8 =	sadd.s32 $0xC600, s4;
	[dreg:$0xb] =	wrdreg s13  }
0x16: {  	s5 =	simm.s32 $0xA;
	s4 =	sadd.s32 $0x2600, s4;
	[dreg:$0x4] =	wrdreg s8  }
0x17: {  	s6 =	simm.s32 $0xB;
	s1 =	sadd.s32 $0x2A200, s1;
	[dreg:$0x5] =	wrdreg s4  }
0x18: {  	[dreg:$0x8] =	wrdreg s1;
	s1 =	simm.s32 $0x1;
	s8 =	simm.s32 $0xD  }
.LBB2_4:
0x19: {  	_ =	swait.ge [sflag:s5], $0x1000  }
0x1a: {  	[sflag:s5] =	ssyncset.done $0x0  }
0x1b: {  	[sflag:s5] =	ssyncadd.s32 $0xFFFFF000  }
0x1c: {  	_ =	swait.ge [sflag:s6], $0x1000  }
0x1d: {  	[sflag:s6] =	ssyncset.done $0x0  }
0x1e: {  	[sflag:s6] =	ssyncadd.s32 $0xFFFFF000  }
0x1f: {  	_ =	swait.ge [sflag:s7], $0x1000  }
0x20: {  	[sflag:s7] =	ssyncset.done $0x0  }
0x21: {  	[sflag:s7] =	ssyncadd.s32 $0xFFFFF000  }
0x22: {  	_ =	swait.ge [sflag:s8], $0x1000  }
0x23: {  	[sflag:s8] =	ssyncset.done $0x0  }
0x24: {  	[sflag:s8] =	ssyncadd.s32 $0xFFFFF000  }
0x25: {  	_ =	swait.ge [sflag:s9], $0x1000  }
0x26: {  	[sflag:s9] =	ssyncset.done $0x0  }
0x27: {  	[sflag:s9] =	ssyncadd.s32 $0xFFFFF000  }
0x28: {  	_ =	swait.ge [sflag:s10], $0x1000  }
0x29: {  	[sflag:s10] =	ssyncset.done $0x0  }
0x2a: {  	[sflag:s10] =	ssyncadd.s32 $0xFFFFF000  }
0x2b: {  	_ =	swait.ge [sflag:s14], $0x1000  }
0x2c: {  	[sflag:s14] =	ssyncset.done $0x0  }
0x2d: {  	[sflag:s14] =	ssyncadd.s32 $0xFFFFF000  }
0x2e: {  	[bflag:$0x0] =	sbarrier.arrive $0xFFFF  }
0x2f: {  	s11 =	rddreg [dreg:$0x8]  }
0x30: {  	s15 =	simm.s32 $0x11;
	s13 =	rddreg [dreg:$0xb]  }
0x31: {  	[hbm:s11], [sflag:s4] =	dma.local [spmem:s13], $0x9E0  }
0x32: {  	_ =	swait.ge [sflag:s15], $0x9E0  }
0x33: {  	s11 =	rddreg [dreg:$0xc]  }
0x34: {  	s17 =	smov.u32 s4;
	s13 =	rddreg [dreg:$0x9];
	s4 =	sadd.s32 $0x1, s11  }
0x35: {  	p0 =	sne.s32 s4, s13  }
.Ltmp1:
0x36: {  	_ = 	snop;
	(pc) =	sbr.rel @!p0 .LBB2_5-.Ltmp1, $3  }
0x37: {  	_ =	sdelay $0x1  }
0x38: {  	[sflag:s15] =	ssyncset.done $0x0  }
0x39: {  	[sflag:s15] =	ssyncadd.s32 $0xFFFFF620;
	s11 =	smov.u32 s17;
	[dreg:$0xc] =	wrdreg s4  }
.LBB2_1:
0x3a: {  	s4 =	simm.s32 $0x0;
	s13 =	rddreg [dreg:$0x4]  }
0x3b: {  	[tilespmem:s4], [sflag:$0x11] =	stream.linear.gather [hbm4b:s13+s4], $0x2800, $0x38;
	[tilespmem:$0x16E00] =	vst v63  }
0x3c: {  	_ =	swait.ge [sflag:s15], $0x2800  }
0x3d: {  	s17 =	simm.s32 $0x0;
	[sflag:s15] =	ssyncset.done $0x0  }
0x3e: {  	s4 =	simm.s32 $0x2800;
	s13 =	rddreg [dreg:$0x5];
	[sflag:s15] =	ssyncadd.s32 $0xFFFFD800  }
0x3f: {  	[tilespmem:s4], [sflag:$0x11] =	stream.linear.gather [hbm4b:s13+s17], $0x2800, $0x38;
	[tilespmem:$0x16E00] =	vst v63  }
0x40: {  	_ =	swait.ge [sflag:s15], $0x2800  }
0x41: {  	[sflag:s15] =	ssyncset.done $0x0;
	s13 =	rddreg [dreg:$0x6]  }
0x42: {  	s4 =	rddreg [dreg:$0xa];
	[sflag:s15] =	ssyncadd.s32 $0xFFFFD800  }
0x43: {  	[spmem:s4], [sflag:s11] =	dma.local [hbm:s13], $0x9E0  }
0x44: {  	_ =	swait.ge [sflag:s15], $0x9E0  }
0x45: {  	[sflag:s15] =	ssyncset.done $0x0;
	s13 =	rddreg [dreg:$0x7]  }
0x46: {  	s4 =	rddreg [dreg:$0xb];
	[sflag:s15] =	ssyncadd.s32 $0xFFFFF620  }
0x47: {  	[spmem:s4], [sflag:s11] =	dma.local [hbm:s13], $0x9E0  }
0x48: {  	_ =	swait.ge [sflag:s15], $0x9E0  }
0x49: {  	[sflag:s15] =	ssyncset.done $0x0  }
0x4a: {  	[sflag:s15] =	ssyncadd.s32 $0xFFFFF620  }
0x4b: {  	s17 =	simm.s32 $0x5000;
	s15 =	simm.s32 $0x0;
	[bflag:$0x0] =	sbarrier.arrive $0xFFFF  }
0x4c: {  	[tilespmem:s17], [sflag:$0x1] =	stream.indirect.gather [spmem:s2], $0x20, s15, s16, $0xb8;
	[tilespmem:$0x16E00] =	vst v63  }
0x4d: {  	_ = 	snop  }
0x4e: {  	[tilespmem:s18], [sflag:$0x2] =	stream.indirect.gather [spmem:s2], $0x20, s16, s16, $0xb8;
	[tilespmem:$0x16E00] =	vst v63  }
0x4f: {  	s13 =	simm.s32 $0x100  }
0x50: {  	[tilespmem:s20], [sflag:$0x3] =	stream.indirect.gather [spmem:s2], $0x20, s13, s16, $0xb8;
	[tilespmem:$0x16E00] =	vst v63  }
0x51: {  	s15 =	simm.s32 $0x180  }
0x52: {  	[tilespmem:s22], [sflag:$0x4] =	stream.indirect.gather [spmem:s2], $0x20, s15, s16, $0xb8;
	[tilespmem:$0x16E00] =	vst v63  }
0x53: {  	s13 =	simm.s32 $0x200  }
0x54: {  	[tilespmem:s24], [sflag:$0x5] =	stream.indirect.gather [spmem:s2], $0x20, s13, s16, $0xb8;
	[tilespmem:$0x16E00] =	vst v63  }
0x55: {  	s15 =	simm.s32 $0x280  }
0x56: {  	[tilespmem:s26], [sflag:$0x6] =	stream.indirect.gather [spmem:s2], $0x20, s15, s16, $0xb8;
	[tilespmem:$0x16E00] =	vst v63  }
0x57: {  	s13 =	simm.s32 $0x300  }
0x58: {  	[tilespmem:s29], [sflag:$0x7] =	stream.indirect.gather [spmem:s2], $0x20, s13, s16, $0xb8;
	[tilespmem:$0x16E00] =	vst v63  }
0x59: {  	s15 =	simm.s32 $0x380  }
0x5a: {  	[tilespmem:s31], [sflag:$0x8] =	stream.indirect.gather [spmem:s2], $0x20, s15, s16, $0xb8;
	[tilespmem:$0x16E00] =	vst v63  }
0x5b: {  	s4 =	smov.u32 s11;
	s15 =	simm.s32 $0x0  }
.LBB2_2:
0x5c: {  	_ =	swait.ge [sflag:s1], $0x1000  }
0x5d: {  	s13 =	sshra.s32 s15, $0x2;
	[sflag:s1] =	ssyncset.done $0x0  }
0x5e: {  	s11 =	sadd.s32 $0x2800, s13;
	[sflag:s1] =	ssyncadd.s32 $0xFFFFF000  }
0x5f: {  	[spmem:s3] =	stream.indirect.scatter.add.f32 [tilespmem:s17], [sflag:$0x9], $0x20, s11, s16, $0xb8;
	[tilespmem:$0x16E00] =	vst v63  }
0x60: {  	_ =	swait.ge [sflag:s0], $0x1000  }
0x61: {  	[sflag:s0] =	ssyncset.done $0x0  }
0x62: {  	s11 =	sadd.s32 $0x2880, s13;
	[sflag:s0] =	ssyncadd.s32 $0xFFFFF000  }
0x63: {  	[spmem:s3] =	stream.indirect.scatter.add.f32 [tilespmem:s18], [sflag:$0xA], $0x20, s11, s16, $0xb8;
	[tilespmem:$0x16E00] =	vst v63  }
0x64: {  	_ =	swait.ge [sflag:s12], $0x1000  }
0x65: {  	[sflag:s12] =	ssyncset.done $0x0  }
0x66: {  	s11 =	sadd.s32 $0x2900, s13;
	[sflag:s12] =	ssyncadd.s32 $0xFFFFF000  }
0x67: {  	[spmem:s3] =	stream.indirect.scatter.add.f32 [tilespmem:s20], [sflag:$0xB], $0x20, s11, s16, $0xb8;
	[tilespmem:$0x16E00] =	vst v63  }
0x68: {  	_ =	swait.ge [sflag:s19], $0x1000  }
0x69: {  	[sflag:s19] =	ssyncset.done $0x0  }
0x6a: {  	s11 =	sadd.s32 $0x2980, s13;
	[sflag:s19] =	ssyncadd.s32 $0xFFFFF000  }
0x6b: {  	[spmem:s3] =	stream.indirect.scatter.add.f32 [tilespmem:s22], [sflag:$0xC], $0x20, s11, s16, $0xb8;
	[tilespmem:$0x16E00] =	vst v63  }
0x6c: {  	_ =	swait.ge [sflag:s21], $0x1000  }
0x6d: {  	[sflag:s21] =	ssyncset.done $0x0  }
0x6e: {  	s11 =	sadd.s32 $0x2A00, s13;
	[sflag:s21] =	ssyncadd.s32 $0xFFFFF000  }
0x6f: {  	[spmem:s3] =	stream.indirect.scatter.add.f32 [tilespmem:s24], [sflag:$0xD], $0x20, s11, s16, $0xb8;
	[tilespmem:$0x16E00] =	vst v63  }
0x70: {  	_ =	swait.ge [sflag:s23], $0x1000  }
0x71: {  	[sflag:s23] =	ssyncset.done $0x0  }
0x72: {  	s11 =	sadd.s32 $0x2A80, s13;
	[sflag:s23] =	ssyncadd.s32 $0xFFFFF000  }
0x73: {  	[spmem:s3] =	stream.indirect.scatter.add.f32 [tilespmem:s26], [sflag:$0xE], $0x20, s11, s16, $0xb8;
	[tilespmem:$0x16E00] =	vst v63  }
0x74: {  	_ =	swait.ge [sflag:s25], $0x1000  }
0x75: {  	[sflag:s25] =	ssyncset.done $0x0  }
0x76: {  	s11 =	sadd.s32 $0x2B00, s13;
	[sflag:s25] =	ssyncadd.s32 $0xFFFFF000  }
0x77: {  	[spmem:s3] =	stream.indirect.scatter.add.f32 [tilespmem:s29], [sflag:$0xF], $0x20, s11, s16, $0xb8;
	[tilespmem:$0x16E00] =	vst v63  }
0x78: {  	_ =	swait.ge [sflag:s28], $0x1000  }
0x79: {  	p0 =	seq.s32 s15, $0x9000;
	[sflag:s28] =	ssyncset.done $0x0  }
.Ltmp2:
0x7a: {  	s11 =	sadd.s32 $0x2B80, s13;
	[sflag:s28] =	ssyncadd.s32 $0xFFFFF000;
	(pc) =	sbr.rel @p0 .LBB2_4-.Ltmp2, $4  }
0x7b: {  	[spmem:s3] =	stream.indirect.scatter.add.f32 [tilespmem:s31], [sflag:$0x10], $0x20, s11, s16, $0xb8;
	[tilespmem:$0x16E00] =	vst v63  }
0x7c: {  	_ =	swait.ge [sflag:s30], $0x1000  }
0x7d: {  	[sflag:s30] =	ssyncset.done $0x0  }
0x7e: {  	[sflag:s30] =	ssyncadd.s32 $0xFFFFF000  }
0x7f: {  	s11 =	sadd.s32 $0x400, s13  }
0x80: {  	[tilespmem:s17], [sflag:$0x1] =	stream.indirect.gather [spmem:s2], $0x20, s11, s16, $0xb8;
	[tilespmem:$0x16E00] =	vst v63  }
0x81: {  	_ =	swait.ge [sflag:s5], $0x1000  }
0x82: {  	[sflag:s5] =	ssyncset.done $0x0  }
0x83: {  	s11 =	sadd.s32 $0x480, s13;
	[sflag:s5] =	ssyncadd.s32 $0xFFFFF000  }
0x84: {  	[tilespmem:s18], [sflag:$0x2] =	stream.indirect.gather [spmem:s2], $0x20, s11, s16, $0xb8;
	[tilespmem:$0x16E00] =	vst v63  }
0x85: {  	_ =	swait.ge [sflag:s6], $0x1000  }
0x86: {  	[sflag:s6] =	ssyncset.done $0x0  }
0x87: {  	s11 =	sadd.s32 $0x500, s13;
	[sflag:s6] =	ssyncadd.s32 $0xFFFFF000  }
0x88: {  	[tilespmem:s20], [sflag:$0x3] =	stream.indirect.gather [spmem:s2], $0x20, s11, s16, $0xb8;
	[tilespmem:$0x16E00] =	vst v63  }
0x89: {  	_ =	swait.ge [sflag:s7], $0x1000  }
0x8a: {  	[sflag:s7] =	ssyncset.done $0x0  }
0x8b: {  	s11 =	sadd.s32 $0x580, s13;
	[sflag:s7] =	ssyncadd.s32 $0xFFFFF000  }
0x8c: {  	[tilespmem:s22], [sflag:$0x4] =	stream.indirect.gather [spmem:s2], $0x20, s11, s16, $0xb8;
	[tilespmem:$0x16E00] =	vst v63  }
0x8d: {  	_ =	swait.ge [sflag:s8], $0x1000  }
0x8e: {  	[sflag:s8] =	ssyncset.done $0x0  }
0x8f: {  	s11 =	sadd.s32 $0x600, s13;
	[sflag:s8] =	ssyncadd.s32 $0xFFFFF000  }
0x90: {  	[tilespmem:s24], [sflag:$0x5] =	stream.indirect.gather [spmem:s2], $0x20, s11, s16, $0xb8;
	[tilespmem:$0x16E00] =	vst v63  }
0x91: {  	_ =	swait.ge [sflag:s9], $0x1000  }
0x92: {  	[sflag:s9] =	ssyncset.done $0x0  }
0x93: {  	s11 =	sadd.s32 $0x680, s13;
	[sflag:s9] =	ssyncadd.s32 $0xFFFFF000  }
0x94: {  	[tilespmem:s26], [sflag:$0x6] =	stream.indirect.gather [spmem:s2], $0x20, s11, s16, $0xb8;
	[tilespmem:$0x16E00] =	vst v63  }
0x95: {  	_ =	swait.ge [sflag:s10], $0x1000  }
0x96: {  	[sflag:s10] =	ssyncset.done $0x0  }
0x97: {  	s11 =	sadd.s32 $0x700, s13;
	[sflag:s10] =	ssyncadd.s32 $0xFFFFF000  }
0x98: {  	[tilespmem:s29], [sflag:$0x7] =	stream.indirect.gather [spmem:s2], $0x20, s11, s16, $0xb8;
	[tilespmem:$0x16E00] =	vst v63  }
.Ltmp3:
0x99: {  	_ = 	snop;
	(pc) =	sbr.rel .LBB2_2-.Ltmp3, $4  }
0x9a: {  	_ =	swait.ge [sflag:s14], $0x1000  }
0x9b: {  	[sflag:s14] =	ssyncset.done $0x0  }
0x9c: {  	s15 =	sadd.s32 $0x1000, s15;
	s13 =	sadd.s32 $0x780, s13;
	[sflag:s14] =	ssyncadd.s32 $0xFFFFF000  }
0x9d: {  	[tilespmem:s31], [sflag:$0x8] =	stream.indirect.gather [spmem:s2], $0x20, s13, s16, $0xb8;
	[tilespmem:$0x16E00] =	vst v63  }
.LBB2_5:
0x9e: {  	_ =	sfence.sel $0x180000  }
0x9f: {  	[bflag:$0x0] =	sbarrier.arrive $0xFFFF  }
0xa0: {  	_ =	strace $0x90000047  }
0xa1: {  	s0 =	stileid.u32;
	[bflag:$0x2] =	sbarrier.arrive $0xFFFF  }
0xa2: {  	p0 =	sne.s32 s0, $0x0;
	s0 =	rddreg [dreg:$0x3]  }
0xa3: {  	s0 =	sadd.s32 @!p0 $0x100000, s0  }
0xa4: {  	[sflag:s0] =	ssyncadd.tile.s32 @!p0 $0x1;
	_ =	shalt  }
.Lfunc_end2:
_tile_overlayer_lowered:
.L_overlay_start_2:
0xa5: {  	(tag) =	ssettag $0x2  }
0xa6: {  	s0 =	rddreg [dreg:$0x0];
	s2 =	stileid.u32  }
0xa7: {  	s1 =	rddreg [dreg:$0x1];
	p0 =	sne.s32 s2, $0x0  }
0xa8: {  	s3 =	rddreg [dreg:$0x2];
	[bflag:$0x3] =	sbarrier.arrive $0xFFFF;
	s2 =	simm.s32 @!p0 $0x1C11  }
0xa9: {  	[timem:s3], [sflag:s2] =	dma.local @!p0 [hbm:s0], s1  }
0xaa: {  	s0 =	simm.s32 @!p0 $0x11  }
0xab: {  	_ =	swait.ge @!p0 [sflag:s0], s1  }
0xac: {  	s1 =	ssub.s32 @!p0 $0x0, s1;
	[sflag:s0] =	ssyncset.done @!p0 $0x0  }
0xad: {  	[sflag:s0] =	ssyncadd.s32 @!p0 s1  }
0xae: {  	[bflag:$0x3] =	sbarrier.arrive $0xFFFF  }
0xaf: {  	_ =	shalt  }

</sc_bundles>
